<compile_context>
chip_gen: v7x
topology: tpu7x:2x2x1
jax: 0.10.2.dev20260603
libtpu: 0.0.44.dev20260713+nightly
codegen_flags: <defaults>
</compile_context>

<pallas_src>
import functools

import jax
import jax.numpy as jnp
from jax import lax
from jax.experimental import pallas as pl
from jax.experimental.pallas import tpu as pltpu
from jax.experimental.pallas import tpu_sc as plsc

POOL = 1024
PLEN = 8
DIM = 768
K = 5
BATCH = 1024

NC = 2
NS = 16
LANES = 16
NEG = -3.0e38


def _tc_body(q_ref, k_ref, sim_ref, avg_ref):
    q = q_ref[...]
    k = k_ref[...]
    qn = q / jnp.maximum(jnp.sqrt(jnp.sum(q * q, axis=1, keepdims=True)), 1e-12)
    kn = k / jnp.maximum(jnp.sqrt(jnp.sum(k * k, axis=1, keepdims=True)), 1e-12)
    sim = lax.dot_general(qn, kn, (((1,), (1,)), ((), ())),
                          preferred_element_type=jnp.float32)
    sim_ref[...] = sim
    avg_ref[...] = jnp.mean(sim, axis=0, keepdims=True)


_tc_call = pl.pallas_call(
    _tc_body,
    out_shape=(
        jax.ShapeDtypeStruct((BATCH, POOL), jnp.float32),
        jax.ShapeDtypeStruct((1, POOL), jnp.float32),
    ),
)


def _sc_body(avg_hbm, pool_hbm, out_hbm, avg_v, idx_v, rows_v, gsem):
    cid = lax.axis_index("c")
    sid = lax.axis_index("s")
    wid = sid * NC + cid

    @pl.when(wid == 0)
    def _():
        pltpu.sync_copy(avg_hbm, avg_v)

        iota = lax.iota(jnp.int32, LANES)

        def _xlane(v, perm):
            return v.at[perm].get(mode="promise_in_bounds")

        def _bcast_max(v):
            for s in (1, 2, 4, 8):
                v = jnp.maximum(v, _xlane(v, iota ^ s))
            return v

        def _bcast_min(v):
            for s in (1, 2, 4, 8):
                v = jnp.minimum(v, _xlane(v, iota ^ s))
            return v

        idxs = jnp.zeros((LANES,), jnp.int32)
        chosen_list = []
        for r in range(K):
            def chunk_body(c, carry, _chosen=tuple(chosen_list)):
                bestv, besti = carry
                v = avg_v[pl.ds(c * LANES, LANES)]
                i = c * LANES + iota
                m = v > bestv
                for cv in _chosen:
                    m = m & (i != cv)
                return (jnp.where(m, v, bestv), jnp.where(m, i, besti))

            bestv, besti = lax.fori_loop(
                0, POOL // LANES, chunk_body,
                (jnp.full((LANES,), NEG, jnp.float32),
                 jnp.zeros((LANES,), jnp.int32)))
            gmax = _bcast_max(bestv)
            chosen_vec = _bcast_min(
                jnp.where(bestv == gmax, besti, jnp.int32(2 ** 30)))
            idxs = jnp.where(iota == r, chosen_vec, idxs)
            chosen_list.append(chosen_vec)

        idx_v[...] = idxs
        pltpu.async_copy(pool_hbm.at[idx_v.at[pl.ds(0, 8)]], rows_v, gsem).wait()
        pltpu.sync_copy(rows_v.at[pl.ds(0, K)], out_hbm)


_sc_call = functools.partial(
    pl.kernel,
    out_type=jax.ShapeDtypeStruct((K, PLEN, DIM), jnp.float32),
    mesh=plsc.VectorSubcoreMesh(core_axis_name="c", subcore_axis_name="s"),
    scratch_types=[
        pltpu.VMEM((POOL,), jnp.float32),
        pltpu.VMEM((LANES,), jnp.int32),
        pltpu.VMEM((8, PLEN, DIM), jnp.float32),
        pltpu.SemaphoreType.DMA,
    ],
)(_sc_body)

BB = 32


def _bc_body(sel_ref, out_ref):
    out_ref[...] = jnp.broadcast_to(sel_ref[...][None], (BB, K, PLEN, DIM))


_bc_call = pl.pallas_call(
    _bc_body,
    grid=(BATCH // BB,),
    in_specs=[pl.BlockSpec((K, PLEN, DIM), lambda b: (0, 0, 0))],
    out_specs=pl.BlockSpec((BB, K, PLEN, DIM), lambda b: (b, 0, 0, 0)),
    out_shape=jax.ShapeDtypeStruct((BATCH, K, PLEN, DIM), jnp.float32),
)


def kernel(query, prompt_pool, prompt_key):
    sim, avg = _tc_call(query, prompt_key)
    sel_small = _sc_call(avg.reshape(POOL), prompt_pool)
    sel = _bc_call(sel_small)
    selected_prompts = sel.reshape(BATCH, K * PLEN, DIM)
    prompt_mask = jnp.ones((BATCH, K * PLEN), dtype=bool)
    return selected_prompts, prompt_mask, sim

# --- scband reference (transcript-rebuilt; emitter-appended) ---
"""Pipeline reference for scband-prompt-pool-73418170958519 (READ-ONLY COPY).

The authoritative reference and input builder live on the scoring server;
editing this copy changes nothing except your own understanding.
"""

import jax, jax.numpy as jnp
import numpy as np

POOL_SIZE = 1024
PROMPT_LEN = 8
EMBED_DIM = 768
TOP_K = 5
BATCH = 1024


def _l2_normalize(x, axis):
    # matches torch F.normalize(p=2): denom clamped at eps=1e-12
    n = jnp.linalg.norm(x, ord=2, axis=axis, keepdims=True)
    return x / jnp.maximum(n, 1e-12)


def setup_inputs(seed: int = 0) -> dict:
    key = jax.random.key(seed)
    k1, k2, k3 = jax.random.split(key, 3)
    query = jax.random.normal(k1, (BATCH, EMBED_DIM), dtype=jnp.float32)
    # prompt_pool init: normal std=0.02 ('random')
    prompt_pool = 0.02 * jax.random.normal(k2, (POOL_SIZE, PROMPT_LEN, EMBED_DIM), dtype=jnp.float32)
    # prompt_key init: uniform(-1, 1)
    prompt_key = jax.random.uniform(k3, (POOL_SIZE, EMBED_DIM), minval=-1.0, maxval=1.0, dtype=jnp.float32)
    return {"query": query, "prompt_pool": prompt_pool, "prompt_key": prompt_key}


def reference(query, prompt_pool, prompt_key):
    batch_size = query.shape[0]
    query_norm = _l2_normalize(query, axis=1)
    key_norm = _l2_normalize(prompt_key, axis=1)
    similarity = jnp.matmul(query_norm, key_norm.T)  # [B, pool_size]
    # batchwise_prompt=True path
    avg_similarity = similarity.mean(axis=0)
    _, top_k_indices = jax.lax.top_k(avg_similarity, TOP_K)  # [top_k]
    selected = jnp.take(prompt_pool, top_k_indices, axis=0)  # [top_k, L, D]
    selected = selected.reshape(TOP_K * PROMPT_LEN, EMBED_DIM)
    selected_prompts = jnp.broadcast_to(selected[None, :, :], (batch_size, TOP_K * PROMPT_LEN, EMBED_DIM))
    prompt_mask = jnp.ones((batch_size, TOP_K * PROMPT_LEN), dtype=bool)
    return (selected_prompts, prompt_mask, similarity)

if __name__ == "__main__":
    import jax
    _d = setup_inputs()
    print(jax.jit(kernel)(*tuple(_d.values())))

</pallas_src>

<mosaic_0001>
#map = affine_map<(d0, d1) -> (0)>
#map1 = affine_map<(d0, d1) -> (0, 0, 0)>
module attributes {stable_mosaic.version = 14 : i64} {
  func.func @_sc_body(%arg0: i32, %arg1: i32, %arg2: memref<1024xf32, #tpu.memory_space<hbm>>, %arg3: memref<1024x8x768xf32, #tpu.memory_space<hbm>>, %arg4: memref<5x8x768xf32, #tpu.memory_space<hbm>>, %arg5: memref<1024xf32, #tpu.memory_space<vmem>>, %arg6: memref<16xi32, #tpu.memory_space<vmem>>, %arg7: memref<8x8x768xf32, #tpu.memory_space<vmem>>, %arg8: memref<!tpu.dma_semaphore, #tpu.memory_space<semaphore_mem>>) attributes {dimension_semantics = [#tpu.dimension_semantics<core_parallel>, #tpu.dimension_semantics<subcore_parallel>], iteration_bounds = array<i64: 2, 16>, scalar_prefetch = 0 : i64, scratch_operands = 4 : i64, tpu.core_type = #tpu.core_type<sc_vector_subcore>, window_params = [{transform_indices = #map}, {transform_indices = #map1}, {transform_indices = #map1}]} {
    %mul3A = arith.constant 2 : i32
    %mul3A_0 = arith.muli %arg1, %mul3A : i32
    %add3A = arith.addi %mul3A_0, %arg0 : i32
    %eq3A = arith.constant 0 : i32
    %eq3A_1 = arith.cmpi eq, %add3A, %eq3A : i32
    %convert_element_type3A = arith.extui %eq3A_1 : i1 to i32
    %cond3A = arith.constant 0 : i32
    %cond3A_2 = arith.cmpi ne, %convert_element_type3A, %cond3A : i32
    scf.if %cond3A_2 {
      "tpu.region"() ({
        %run_scoped3A = tpu.sem_alloc : memref<!tpu.dma_semaphore, #tpu.memory_space<semaphore_mem>>
        tpu.enqueue_dma source(%arg2 : memref<1024xf32, #tpu.memory_space<hbm>>) target(%arg5 : memref<1024xf32, #tpu.memory_space<vmem>>) target_semaphore(%run_scoped3A : memref<!tpu.dma_semaphore, #tpu.memory_space<semaphore_mem>>)
        tpu.wait_dma2 semaphore(%run_scoped3A : memref<!tpu.dma_semaphore, #tpu.memory_space<semaphore_mem>>) src(%arg2 : memref<1024xf32, #tpu.memory_space<hbm>>) dst(%arg5 : memref<1024xf32, #tpu.memory_space<vmem>>)
        tpu.yield
      }) : () -> ()
      %iota3A = tpu.iota {dimensions = array<i32: 0>} : vector<16xi32>
      %broadcast_in_dim3A = arith.constant 0 : i32
      %broadcast_in_dim3A_3 = vector.broadcast %broadcast_in_dim3A : i32 to vector<16xi32>
      %broadcast_in_dim3A_4 = arith.constant -3.000000e+38 : f32
      %broadcast_in_dim3A_5 = vector.broadcast %broadcast_in_dim3A_4 : f32 to vector<16xf32>
      %broadcast_in_dim3A_6 = arith.constant 0 : i32
      %broadcast_in_dim3A_7 = vector.broadcast %broadcast_in_dim3A_6 : i32 to vector<16xi32>
      %scan3A = arith.constant 0 : i32
      %scan3A_8 = arith.constant 64 : i32
      %scan3A_9 = arith.addi %scan3A, %scan3A_8 : i32
      %scan3A_10 = arith.constant 1 : i32
      %scan3A_11:2 = scf.for %scan3A_659 = %scan3A to %scan3A_9 step %scan3A_10 iter_args(%scan3A_660 = %broadcast_in_dim3A_5, %scan3A_661 = %broadcast_in_dim3A_7) -> (vector<16xf32>, vector<16xi32>)  : i32 {
        %mul3A_662 = arith.constant 16 : i32
        %mul3A_663 = arith.muli %scan3A_659, %mul3A_662 : i32
        %get3A = arith.index_cast %mul3A_663 : i32 to index
        %get3A_664 = tpu.vector_load %arg5[%get3A] {strides = array<i32>} : memref<1024xf32, #tpu.memory_space<vmem>>, vector<16xf32>,
        %get3A_665 = vector.shape_cast %get3A_664 : vector<16xf32> to vector<16xf32>
        %mul3A_666 = arith.constant 16 : i32
        %mul3A_667 = arith.muli %scan3A_659, %mul3A_666 : i32
        %add3A_668 = vector.broadcast %mul3A_667 : i32 to vector<16xi32>
        %add3A_669 = arith.addi %add3A_668, %iota3A : vector<16xi32>
        %gt3A = arith.cmpf ogt, %get3A_665, %scan3A_660 : vector<16xf32>
        %select_n3A_670 = arith.select %gt3A, %get3A_665, %scan3A_660 : vector<16xi1>, vector<16xf32>
        %select_n3A_671 = arith.select %gt3A, %add3A_669, %scan3A_661 : vector<16xi1>, vector<16xi32>
        scf.yield %select_n3A_670, %select_n3A_671 : vector<16xf32>, vector<16xi32>
      }
      %scan3A_12 = arith.constant 64 : i32
      %xor3A = arith.constant 1 : i32
      %xor3A_13 = vector.broadcast %xor3A : i32 to vector<16xi32>
      %xor3A_14 = arith.xori %iota3A, %xor3A_13 : vector<16xi32>
      %lt3A = arith.constant 0 : i32
      %lt3A_15 = vector.broadcast %lt3A : i32 to vector<16xi32>
      %lt3A_16 = arith.cmpi slt, %xor3A_14, %lt3A_15 : vector<16xi32>
      %add3A_17 = arith.constant 16 : i32
      %add3A_18 = vector.broadcast %add3A_17 : i32 to vector<16xi32>
      %add3A_19 = arith.addi %xor3A_14, %add3A_18 : vector<16xi32>
      %select_n3A = arith.select %lt3A_16, %add3A_19, %xor3A_14 : vector<16xi1>, vector<16xi32>
      %broadcast_in_dim3A_20 = vector.shape_cast %select_n3A : vector<16xi32> to vector<16x1xi32>
      %gather3A = vector.shape_cast %broadcast_in_dim3A_20 : vector<16x1xi32> to vector<16xi32>
      %gather3A_21 = tpu.dynamic_gather %scan3A_11#0[%gather3A] in [0] : vector<16xf32>, vector<16xi32> -> vector<16xf32>
      %max3A = arith.maximumf %scan3A_11#0, %gather3A_21 : vector<16xf32>
      %xor3A_22 = arith.constant 2 : i32
      %xor3A_23 = vector.broadcast %xor3A_22 : i32 to vector<16xi32>
      %xor3A_24 = arith.xori %iota3A, %xor3A_23 : vector<16xi32>
      %lt3A_25 = arith.constant 0 : i32
      %lt3A_26 = vector.broadcast %lt3A_25 : i32 to vector<16xi32>
      %lt3A_27 = arith.cmpi slt, %xor3A_24, %lt3A_26 : vector<16xi32>
      %add3A_28 = arith.constant 16 : i32
      %add3A_29 = vector.broadcast %add3A_28 : i32 to vector<16xi32>
      %add3A_30 = arith.addi %xor3A_24, %add3A_29 : vector<16xi32>
      %select_n3A_31 = arith.select %lt3A_27, %add3A_30, %xor3A_24 : vector<16xi1>, vector<16xi32>
      %broadcast_in_dim3A_32 = vector.shape_cast %select_n3A_31 : vector<16xi32> to vector<16x1xi32>
      %gather3A_33 = vector.shape_cast %broadcast_in_dim3A_32 : vector<16x1xi32> to vector<16xi32>
      %gather3A_34 = tpu.dynamic_gather %max3A[%gather3A_33] in [0] : vector<16xf32>, vector<16xi32> -> vector<16xf32>
      %max3A_35 = arith.maximumf %max3A, %gather3A_34 : vector<16xf32>
      %xor3A_36 = arith.constant 4 : i32
      %xor3A_37 = vector.broadcast %xor3A_36 : i32 to vector<16xi32>
      %xor3A_38 = arith.xori %iota3A, %xor3A_37 : vector<16xi32>
      %lt3A_39 = arith.constant 0 : i32
      %lt3A_40 = vector.broadcast %lt3A_39 : i32 to vector<16xi32>
      %lt3A_41 = arith.cmpi slt, %xor3A_38, %lt3A_40 : vector<16xi32>
      %add3A_42 = arith.constant 16 : i32
      %add3A_43 = vector.broadcast %add3A_42 : i32 to vector<16xi32>
      %add3A_44 = arith.addi %xor3A_38, %add3A_43 : vector<16xi32>
      %select_n3A_45 = arith.select %lt3A_41, %add3A_44, %xor3A_38 : vector<16xi1>, vector<16xi32>
      %broadcast_in_dim3A_46 = vector.shape_cast %select_n3A_45 : vector<16xi32> to vector<16x1xi32>
      %gather3A_47 = vector.shape_cast %broadcast_in_dim3A_46 : vector<16x1xi32> to vector<16xi32>
      %gather3A_48 = tpu.dynamic_gather %max3A_35[%gather3A_47] in [0] : vector<16xf32>, vector<16xi32> -> vector<16xf32>
      %max3A_49 = arith.maximumf %max3A_35, %gather3A_48 : vector<16xf32>
      %xor3A_50 = arith.constant 8 : i32
      %xor3A_51 = vector.broadcast %xor3A_50 : i32 to vector<16xi32>
      %xor3A_52 = arith.xori %iota3A, %xor3A_51 : vector<16xi32>
      %lt3A_53 = arith.constant 0 : i32
      %lt3A_54 = vector.broadcast %lt3A_53 : i32 to vector<16xi32>
      %lt3A_55 = arith.cmpi slt, %xor3A_52, %lt3A_54 : vector<16xi32>
      %add3A_56 = arith.constant 16 : i32
      %add3A_57 = vector.broadcast %add3A_56 : i32 to vector<16xi32>
      %add3A_58 = arith.addi %xor3A_52, %add3A_57 : vector<16xi32>
      %select_n3A_59 = arith.select %lt3A_55, %add3A_58, %xor3A_52 : vector<16xi1>, vector<16xi32>
      %broadcast_in_dim3A_60 = vector.shape_cast %select_n3A_59 : vector<16xi32> to vector<16x1xi32>
      %gather3A_61 = vector.shape_cast %broadcast_in_dim3A_60 : vector<16x1xi32> to vector<16xi32>
      %gather3A_62 = tpu.dynamic_gather %max3A_49[%gather3A_61] in [0] : vector<16xf32>, vector<16xi32> -> vector<16xf32>
      %max3A_63 = arith.maximumf %max3A_49, %gather3A_62 : vector<16xf32>
      %eq3A_64 = arith.cmpf oeq, %scan3A_11#0, %max3A_63 : vector<16xf32>
      %jit3A = arith.constant 1073741824 : i32
      %broadcast_in_dim3A_65 = vector.broadcast %jit3A : i32 to vector<16xi32>
      %select_n3A_66 = arith.select %eq3A_64, %scan3A_11#1, %broadcast_in_dim3A_65 : vector<16xi1>, vector<16xi32>
      %xor3A_67 = arith.constant 1 : i32
      %xor3A_68 = vector.broadcast %xor3A_67 : i32 to vector<16xi32>
      %xor3A_69 = arith.xori %iota3A, %xor3A_68 : vector<16xi32>
      %lt3A_70 = arith.constant 0 : i32
      %lt3A_71 = vector.broadcast %lt3A_70 : i32 to vector<16xi32>
      %lt3A_72 = arith.cmpi slt, %xor3A_69, %lt3A_71 : vector<16xi32>
      %add3A_73 = arith.constant 16 : i32
      %add3A_74 = vector.broadcast %add3A_73 : i32 to vector<16xi32>
      %add3A_75 = arith.addi %xor3A_69, %add3A_74 : vector<16xi32>
      %select_n3A_76 = arith.select %lt3A_72, %add3A_75, %xor3A_69 : vector<16xi1>, vector<16xi32>
      %broadcast_in_dim3A_77 = vector.shape_cast %select_n3A_76 : vector<16xi32> to vector<16x1xi32>
      %gather3A_78 = vector.shape_cast %broadcast_in_dim3A_77 : vector<16x1xi32> to vector<16xi32>
      %gather3A_79 = tpu.dynamic_gather %select_n3A_66[%gather3A_78] in [0] : vector<16xi32>, vector<16xi32> -> vector<16xi32>
      %min3A = arith.minsi %select_n3A_66, %gather3A_79 : vector<16xi32>
      %xor3A_80 = arith.constant 2 : i32
      %xor3A_81 = vector.broadcast %xor3A_80 : i32 to vector<16xi32>
      %xor3A_82 = arith.xori %iota3A, %xor3A_81 : vector<16xi32>
      %lt3A_83 = arith.constant 0 : i32
      %lt3A_84 = vector.broadcast %lt3A_83 : i32 to vector<16xi32>
      %lt3A_85 = arith.cmpi slt, %xor3A_82, %lt3A_84 : vector<16xi32>
      %add3A_86 = arith.constant 16 : i32
      %add3A_87 = vector.broadcast %add3A_86 : i32 to vector<16xi32>
      %add3A_88 = arith.addi %xor3A_82, %add3A_87 : vector<16xi32>
      %select_n3A_89 = arith.select %lt3A_85, %add3A_88, %xor3A_82 : vector<16xi1>, vector<16xi32>
      %broadcast_in_dim3A_90 = vector.shape_cast %select_n3A_89 : vector<16xi32> to vector<16x1xi32>
      %gather3A_91 = vector.shape_cast %broadcast_in_dim3A_90 : vector<16x1xi32> to vector<16xi32>
      %gather3A_92 = tpu.dynamic_gather %min3A[%gather3A_91] in [0] : vector<16xi32>, vector<16xi32> -> vector<16xi32>
      %min3A_93 = arith.minsi %min3A, %gather3A_92 : vector<16xi32>
      %xor3A_94 = arith.constant 4 : i32
      %xor3A_95 = vector.broadcast %xor3A_94 : i32 to vector<16xi32>
      %xor3A_96 = arith.xori %iota3A, %xor3A_95 : vector<16xi32>
      %lt3A_97 = arith.constant 0 : i32
      %lt3A_98 = vector.broadcast %lt3A_97 : i32 to vector<16xi32>
      %lt3A_99 = arith.cmpi slt, %xor3A_96, %lt3A_98 : vector<16xi32>
      %add3A_100 = arith.constant 16 : i32
      %add3A_101 = vector.broadcast %add3A_100 : i32 to vector<16xi32>
      %add3A_102 = arith.addi %xor3A_96, %add3A_101 : vector<16xi32>
      %select_n3A_103 = arith.select %lt3A_99, %add3A_102, %xor3A_96 : vector<16xi1>, vector<16xi32>
      %broadcast_in_dim3A_104 = vector.shape_cast %select_n3A_103 : vector<16xi32> to vector<16x1xi32>
      %gather3A_105 = vector.shape_cast %broadcast_in_dim3A_104 : vector<16x1xi32> to vector<16xi32>
      %gather3A_106 = tpu.dynamic_gather %min3A_93[%gather3A_105] in [0] : vector<16xi32>, vector<16xi32> -> vector<16xi32>
      %min3A_107 = arith.minsi %min3A_93, %gather3A_106 : vector<16xi32>
      %xor3A_108 = arith.constant 8 : i32
      %xor3A_109 = vector.broadcast %xor3A_108 : i32 to vector<16xi32>
      %xor3A_110 = arith.xori %iota3A, %xor3A_109 : vector<16xi32>
      %lt3A_111 = arith.constant 0 : i32
      %lt3A_112 = vector.broadcast %lt3A_111 : i32 to vector<16xi32>
      %lt3A_113 = arith.cmpi slt, %xor3A_110, %lt3A_112 : vector<16xi32>
      %add3A_114 = arith.constant 16 : i32
      %add3A_115 = vector.broadcast %add3A_114 : i32 to vector<16xi32>
      %add3A_116 = arith.addi %xor3A_110, %add3A_115 : vector<16xi32>
      %select_n3A_117 = arith.select %lt3A_113, %add3A_116, %xor3A_110 : vector<16xi1>, vector<16xi32>
      %broadcast_in_dim3A_118 = vector.shape_cast %select_n3A_117 : vector<16xi32> to vector<16x1xi32>
      %gather3A_119 = vector.shape_cast %broadcast_in_dim3A_118 : vector<16x1xi32> to vector<16xi32>
      %gather3A_120 = tpu.dynamic_gather %min3A_107[%gather3A_119] in [0] : vector<16xi32>, vector<16xi32> -> vector<16xi32>
      %min3A_121 = arith.minsi %min3A_107, %gather3A_120 : vector<16xi32>
      %eq3A_122 = arith.constant 0 : i32
      %eq3A_123 = vector.broadcast %eq3A_122 : i32 to vector<16xi32>
      %eq3A_124 = arith.cmpi eq, %iota3A, %eq3A_123 : vector<16xi32>
      %select_n3A_125 = arith.select %eq3A_124, %min3A_121, %broadcast_in_dim3A_3 : vector<16xi1>, vector<16xi32>
      %broadcast_in_dim3A_126 = arith.constant -3.000000e+38 : f32
      %broadcast_in_dim3A_127 = vector.broadcast %broadcast_in_dim3A_126 : f32 to vector<16xf32>
      %broadcast_in_dim3A_128 = arith.constant 0 : i32
      %broadcast_in_dim3A_129 = vector.broadcast %broadcast_in_dim3A_128 : i32 to vector<16xi32>
      %scan3A_130 = arith.constant 0 : i32
      %scan3A_131 = arith.constant 64 : i32
      %scan3A_132 = arith.addi %scan3A_130, %scan3A_131 : i32
      %scan3A_133 = arith.constant 1 : i32
      %scan3A_134:2 = scf.for %scan3A_659 = %scan3A_130 to %scan3A_132 step %scan3A_133 iter_args(%scan3A_660 = %broadcast_in_dim3A_127, %scan3A_661 = %broadcast_in_dim3A_129) -> (vector<16xf32>, vector<16xi32>)  : i32 {
        %mul3A_662 = arith.constant 16 : i32
        %mul3A_663 = arith.muli %scan3A_659, %mul3A_662 : i32
        %get3A = arith.index_cast %mul3A_663 : i32 to index
        %get3A_664 = tpu.vector_load %arg5[%get3A] {strides = array<i32>} : memref<1024xf32, #tpu.memory_space<vmem>>, vector<16xf32>,
        %get3A_665 = vector.shape_cast %get3A_664 : vector<16xf32> to vector<16xf32>
        %mul3A_666 = arith.constant 16 : i32
        %mul3A_667 = arith.muli %scan3A_659, %mul3A_666 : i32
        %add3A_668 = vector.broadcast %mul3A_667 : i32 to vector<16xi32>
        %add3A_669 = arith.addi %add3A_668, %iota3A : vector<16xi32>
        %gt3A = arith.cmpf ogt, %get3A_665, %scan3A_660 : vector<16xf32>
        %ne3A = arith.cmpi ne, %add3A_669, %min3A_121 : vector<16xi32>
        %and3A = arith.andi %gt3A, %ne3A : vector<16xi1>
        %select_n3A_670 = arith.select %and3A, %get3A_665, %scan3A_660 : vector<16xi1>, vector<16xf32>
        %select_n3A_671 = arith.select %and3A, %add3A_669, %scan3A_661 : vector<16xi1>, vector<16xi32>
        scf.yield %select_n3A_670, %select_n3A_671 : vector<16xf32>, vector<16xi32>
      }
      %scan3A_135 = arith.constant 64 : i32
      %xor3A_136 = arith.constant 1 : i32
      %xor3A_137 = vector.broadcast %xor3A_136 : i32 to vector<16xi32>
      %xor3A_138 = arith.xori %iota3A, %xor3A_137 : vector<16xi32>
      %lt3A_139 = arith.constant 0 : i32
      %lt3A_140 = vector.broadcast %lt3A_139 : i32 to vector<16xi32>
      %lt3A_141 = arith.cmpi slt, %xor3A_138, %lt3A_140 : vector<16xi32>
      %add3A_142 = arith.constant 16 : i32
      %add3A_143 = vector.broadcast %add3A_142 : i32 to vector<16xi32>
      %add3A_144 = arith.addi %xor3A_138, %add3A_143 : vector<16xi32>
      %select_n3A_145 = arith.select %lt3A_141, %add3A_144, %xor3A_138 : vector<16xi1>, vector<16xi32>
      %broadcast_in_dim3A_146 = vector.shape_cast %select_n3A_145 : vector<16xi32> to vector<16x1xi32>
      %gather3A_147 = vector.shape_cast %broadcast_in_dim3A_146 : vector<16x1xi32> to vector<16xi32>
      %gather3A_148 = tpu.dynamic_gather %scan3A_134#0[%gather3A_147] in [0] : vector<16xf32>, vector<16xi32> -> vector<16xf32>
      %max3A_149 = arith.maximumf %scan3A_134#0, %gather3A_148 : vector<16xf32>
      %xor3A_150 = arith.constant 2 : i32
      %xor3A_151 = vector.broadcast %xor3A_150 : i32 to vector<16xi32>
      %xor3A_152 = arith.xori %iota3A, %xor3A_151 : vector<16xi32>
      %lt3A_153 = arith.constant 0 : i32
      %lt3A_154 = vector.broadcast %lt3A_153 : i32 to vector<16xi32>
      %lt3A_155 = arith.cmpi slt, %xor3A_152, %lt3A_154 : vector<16xi32>
      %add3A_156 = arith.constant 16 : i32
      %add3A_157 = vector.broadcast %add3A_156 : i32 to vector<16xi32>
      %add3A_158 = arith.addi %xor3A_152, %add3A_157 : vector<16xi32>
      %select_n3A_159 = arith.select %lt3A_155, %add3A_158, %xor3A_152 : vector<16xi1>, vector<16xi32>
      %broadcast_in_dim3A_160 = vector.shape_cast %select_n3A_159 : vector<16xi32> to vector<16x1xi32>
      %gather3A_161 = vector.shape_cast %broadcast_in_dim3A_160 : vector<16x1xi32> to vector<16xi32>
      %gather3A_162 = tpu.dynamic_gather %max3A_149[%gather3A_161] in [0] : vector<16xf32>, vector<16xi32> -> vector<16xf32>
      %max3A_163 = arith.maximumf %max3A_149, %gather3A_162 : vector<16xf32>
      %xor3A_164 = arith.constant 4 : i32
      %xor3A_165 = vector.broadcast %xor3A_164 : i32 to vector<16xi32>
      %xor3A_166 = arith.xori %iota3A, %xor3A_165 : vector<16xi32>
      %lt3A_167 = arith.constant 0 : i32
      %lt3A_168 = vector.broadcast %lt3A_167 : i32 to vector<16xi32>
      %lt3A_169 = arith.cmpi slt, %xor3A_166, %lt3A_168 : vector<16xi32>
      %add3A_170 = arith.constant 16 : i32
      %add3A_171 = vector.broadcast %add3A_170 : i32 to vector<16xi32>
      %add3A_172 = arith.addi %xor3A_166, %add3A_171 : vector<16xi32>
      %select_n3A_173 = arith.select %lt3A_169, %add3A_172, %xor3A_166 : vector<16xi1>, vector<16xi32>
      %broadcast_in_dim3A_174 = vector.shape_cast %select_n3A_173 : vector<16xi32> to vector<16x1xi32>
      %gather3A_175 = vector.shape_cast %broadcast_in_dim3A_174 : vector<16x1xi32> to vector<16xi32>
      %gather3A_176 = tpu.dynamic_gather %max3A_163[%gather3A_175] in [0] : vector<16xf32>, vector<16xi32> -> vector<16xf32>
      %max3A_177 = arith.maximumf %max3A_163, %gather3A_176 : vector<16xf32>
      %xor3A_178 = arith.constant 8 : i32
      %xor3A_179 = vector.broadcast %xor3A_178 : i32 to vector<16xi32>
      %xor3A_180 = arith.xori %iota3A, %xor3A_179 : vector<16xi32>
      %lt3A_181 = arith.constant 0 : i32
      %lt3A_182 = vector.broadcast %lt3A_181 : i32 to vector<16xi32>
      %lt3A_183 = arith.cmpi slt, %xor3A_180, %lt3A_182 : vector<16xi32>
      %add3A_184 = arith.constant 16 : i32
      %add3A_185 = vector.broadcast %add3A_184 : i32 to vector<16xi32>
      %add3A_186 = arith.addi %xor3A_180, %add3A_185 : vector<16xi32>
      %select_n3A_187 = arith.select %lt3A_183, %add3A_186, %xor3A_180 : vector<16xi1>, vector<16xi32>
      %broadcast_in_dim3A_188 = vector.shape_cast %select_n3A_187 : vector<16xi32> to vector<16x1xi32>
      %gather3A_189 = vector.shape_cast %broadcast_in_dim3A_188 : vector<16x1xi32> to vector<16xi32>
      %gather3A_190 = tpu.dynamic_gather %max3A_177[%gather3A_189] in [0] : vector<16xf32>, vector<16xi32> -> vector<16xf32>
      %max3A_191 = arith.maximumf %max3A_177, %gather3A_190 : vector<16xf32>
      %eq3A_192 = arith.cmpf oeq, %scan3A_134#0, %max3A_191 : vector<16xf32>
      %jit3A_193 = arith.constant 1073741824 : i32
      %broadcast_in_dim3A_194 = vector.broadcast %jit3A_193 : i32 to vector<16xi32>
      %select_n3A_195 = arith.select %eq3A_192, %scan3A_134#1, %broadcast_in_dim3A_194 : vector<16xi1>, vector<16xi32>
      %xor3A_196 = arith.constant 1 : i32
      %xor3A_197 = vector.broadcast %xor3A_196 : i32 to vector<16xi32>
      %xor3A_198 = arith.xori %iota3A, %xor3A_197 : vector<16xi32>
      %lt3A_199 = arith.constant 0 : i32
      %lt3A_200 = vector.broadcast %lt3A_199 : i32 to vector<16xi32>
      %lt3A_201 = arith.cmpi slt, %xor3A_198, %lt3A_200 : vector<16xi32>
      %add3A_202 = arith.constant 16 : i32
      %add3A_203 = vector.broadcast %add3A_202 : i32 to vector<16xi32>
      %add3A_204 = arith.addi %xor3A_198, %add3A_203 : vector<16xi32>
      %select_n3A_205 = arith.select %lt3A_201, %add3A_204, %xor3A_198 : vector<16xi1>, vector<16xi32>
      %broadcast_in_dim3A_206 = vector.shape_cast %select_n3A_205 : vector<16xi32> to vector<16x1xi32>
      %gather3A_207 = vector.shape_cast %broadcast_in_dim3A_206 : vector<16x1xi32> to vector<16xi32>
      %gather3A_208 = tpu.dynamic_gather %select_n3A_195[%gather3A_207] in [0] : vector<16xi32>, vector<16xi32> -> vector<16xi32>
      %min3A_209 = arith.minsi %select_n3A_195, %gather3A_208 : vector<16xi32>
      %xor3A_210 = arith.constant 2 : i32
      %xor3A_211 = vector.broadcast %xor3A_210 : i32 to vector<16xi32>
      %xor3A_212 = arith.xori %iota3A, %xor3A_211 : vector<16xi32>
      %lt3A_213 = arith.constant 0 : i32
      %lt3A_214 = vector.broadcast %lt3A_213 : i32 to vector<16xi32>
      %lt3A_215 = arith.cmpi slt, %xor3A_212, %lt3A_214 : vector<16xi32>
      %add3A_216 = arith.constant 16 : i32
      %add3A_217 = vector.broadcast %add3A_216 : i32 to vector<16xi32>
      %add3A_218 = arith.addi %xor3A_212, %add3A_217 : vector<16xi32>
      %select_n3A_219 = arith.select %lt3A_215, %add3A_218, %xor3A_212 : vector<16xi1>, vector<16xi32>
      %broadcast_in_dim3A_220 = vector.shape_cast %select_n3A_219 : vector<16xi32> to vector<16x1xi32>
      %gather3A_221 = vector.shape_cast %broadcast_in_dim3A_220 : vector<16x1xi32> to vector<16xi32>
      %gather3A_222 = tpu.dynamic_gather %min3A_209[%gather3A_221] in [0] : vector<16xi32>, vector<16xi32> -> vector<16xi32>
      %min3A_223 = arith.minsi %min3A_209, %gather3A_222 : vector<16xi32>
      %xor3A_224 = arith.constant 4 : i32
      %xor3A_225 = vector.broadcast %xor3A_224 : i32 to vector<16xi32>
      %xor3A_226 = arith.xori %iota3A, %xor3A_225 : vector<16xi32>
      %lt3A_227 = arith.constant 0 : i32
      %lt3A_228 = vector.broadcast %lt3A_227 : i32 to vector<16xi32>
      %lt3A_229 = arith.cmpi slt, %xor3A_226, %lt3A_228 : vector<16xi32>
      %add3A_230 = arith.constant 16 : i32
      %add3A_231 = vector.broadcast %add3A_230 : i32 to vector<16xi32>
      %add3A_232 = arith.addi %xor3A_226, %add3A_231 : vector<16xi32>
      %select_n3A_233 = arith.select %lt3A_229, %add3A_232, %xor3A_226 : vector<16xi1>, vector<16xi32>
      %broadcast_in_dim3A_234 = vector.shape_cast %select_n3A_233 : vector<16xi32> to vector<16x1xi32>
      %gather3A_235 = vector.shape_cast %broadcast_in_dim3A_234 : vector<16x1xi32> to vector<16xi32>
      %gather3A_236 = tpu.dynamic_gather %min3A_223[%gather3A_235] in [0] : vector<16xi32>, vector<16xi32> -> vector<16xi32>
      %min3A_237 = arith.minsi %min3A_223, %gather3A_236 : vector<16xi32>
      %xor3A_238 = arith.constant 8 : i32
      %xor3A_239 = vector.broadcast %xor3A_238 : i32 to vector<16xi32>
      %xor3A_240 = arith.xori %iota3A, %xor3A_239 : vector<16xi32>
      %lt3A_241 = arith.constant 0 : i32
      %lt3A_242 = vector.broadcast %lt3A_241 : i32 to vector<16xi32>
      %lt3A_243 = arith.cmpi slt, %xor3A_240, %lt3A_242 : vector<16xi32>
      %add3A_244 = arith.constant 16 : i32
      %add3A_245 = vector.broadcast %add3A_244 : i32 to vector<16xi32>
      %add3A_246 = arith.addi %xor3A_240, %add3A_245 : vector<16xi32>
      %select_n3A_247 = arith.select %lt3A_243, %add3A_246, %xor3A_240 : vector<16xi1>, vector<16xi32>
      %broadcast_in_dim3A_248 = vector.shape_cast %select_n3A_247 : vector<16xi32> to vector<16x1xi32>
      %gather3A_249 = vector.shape_cast %broadcast_in_dim3A_248 : vector<16x1xi32> to vector<16xi32>
      %gather3A_250 = tpu.dynamic_gather %min3A_237[%gather3A_249] in [0] : vector<16xi32>, vector<16xi32> -> vector<16xi32>
      %min3A_251 = arith.minsi %min3A_237, %gather3A_250 : vector<16xi32>
      %eq3A_252 = arith.constant 1 : i32
      %eq3A_253 = vector.broadcast %eq3A_252 : i32 to vector<16xi32>
      %eq3A_254 = arith.cmpi eq, %iota3A, %eq3A_253 : vector<16xi32>
      %select_n3A_255 = arith.select %eq3A_254, %min3A_251, %select_n3A_125 : vector<16xi1>, vector<16xi32>
      %broadcast_in_dim3A_256 = arith.constant -3.000000e+38 : f32
      %broadcast_in_dim3A_257 = vector.broadcast %broadcast_in_dim3A_256 : f32 to vector<16xf32>
      %broadcast_in_dim3A_258 = arith.constant 0 : i32
      %broadcast_in_dim3A_259 = vector.broadcast %broadcast_in_dim3A_258 : i32 to vector<16xi32>
      %scan3A_260 = arith.constant 0 : i32
      %scan3A_261 = arith.constant 64 : i32
      %scan3A_262 = arith.addi %scan3A_260, %scan3A_261 : i32
      %scan3A_263 = arith.constant 1 : i32
      %scan3A_264:2 = scf.for %scan3A_659 = %scan3A_260 to %scan3A_262 step %scan3A_263 iter_args(%scan3A_660 = %broadcast_in_dim3A_257, %scan3A_661 = %broadcast_in_dim3A_259) -> (vector<16xf32>, vector<16xi32>)  : i32 {
        %mul3A_662 = arith.constant 16 : i32
        %mul3A_663 = arith.muli %scan3A_659, %mul3A_662 : i32
        %get3A = arith.index_cast %mul3A_663 : i32 to index
        %get3A_664 = tpu.vector_load %arg5[%get3A] {strides = array<i32>} : memref<1024xf32, #tpu.memory_space<vmem>>, vector<16xf32>,
        %get3A_665 = vector.shape_cast %get3A_664 : vector<16xf32> to vector<16xf32>
        %mul3A_666 = arith.constant 16 : i32
        %mul3A_667 = arith.muli %scan3A_659, %mul3A_666 : i32
        %add3A_668 = vector.broadcast %mul3A_667 : i32 to vector<16xi32>
        %add3A_669 = arith.addi %add3A_668, %iota3A : vector<16xi32>
        %gt3A = arith.cmpf ogt, %get3A_665, %scan3A_660 : vector<16xf32>
        %ne3A = arith.cmpi ne, %add3A_669, %min3A_121 : vector<16xi32>
        %and3A = arith.andi %gt3A, %ne3A : vector<16xi1>
        %ne3A_670 = arith.cmpi ne, %add3A_669, %min3A_251 : vector<16xi32>
        %and3A_671 = arith.andi %and3A, %ne3A_670 : vector<16xi1>
        %select_n3A_672 = arith.select %and3A_671, %get3A_665, %scan3A_660 : vector<16xi1>, vector<16xf32>
        %select_n3A_673 = arith.select %and3A_671, %add3A_669, %scan3A_661 : vector<16xi1>, vector<16xi32>
        scf.yield %select_n3A_672, %select_n3A_673 : vector<16xf32>, vector<16xi32>
      }
      %scan3A_265 = arith.constant 64 : i32
      %xor3A_266 = arith.constant 1 : i32
      %xor3A_267 = vector.broadcast %xor3A_266 : i32 to vector<16xi32>
      %xor3A_268 = arith.xori %iota3A, %xor3A_267 : vector<16xi32>
      %lt3A_269 = arith.constant 0 : i32
      %lt3A_270 = vector.broadcast %lt3A_269 : i32 to vector<16xi32>
      %lt3A_271 = arith.cmpi slt, %xor3A_268, %lt3A_270 : vector<16xi32>
      %add3A_272 = arith.constant 16 : i32
      %add3A_273 = vector.broadcast %add3A_272 : i32 to vector<16xi32>
      %add3A_274 = arith.addi %xor3A_268, %add3A_273 : vector<16xi32>
      %select_n3A_275 = arith.select %lt3A_271, %add3A_274, %xor3A_268 : vector<16xi1>, vector<16xi32>
      %broadcast_in_dim3A_276 = vector.shape_cast %select_n3A_275 : vector<16xi32> to vector<16x1xi32>
      %gather3A_277 = vector.shape_cast %broadcast_in_dim3A_276 : vector<16x1xi32> to vector<16xi32>
      %gather3A_278 = tpu.dynamic_gather %scan3A_264#0[%gather3A_277] in [0] : vector<16xf32>, vector<16xi32> -> vector<16xf32>
      %max3A_279 = arith.maximumf %scan3A_264#0, %gather3A_278 : vector<16xf32>
      %xor3A_280 = arith.constant 2 : i32
      %xor3A_281 = vector.broadcast %xor3A_280 : i32 to vector<16xi32>
      %xor3A_282 = arith.xori %iota3A, %xor3A_281 : vector<16xi32>
      %lt3A_283 = arith.constant 0 : i32
      %lt3A_284 = vector.broadcast %lt3A_283 : i32 to vector<16xi32>
      %lt3A_285 = arith.cmpi slt, %xor3A_282, %lt3A_284 : vector<16xi32>
      %add3A_286 = arith.constant 16 : i32
      %add3A_287 = vector.broadcast %add3A_286 : i32 to vector<16xi32>
      %add3A_288 = arith.addi %xor3A_282, %add3A_287 : vector<16xi32>
      %select_n3A_289 = arith.select %lt3A_285, %add3A_288, %xor3A_282 : vector<16xi1>, vector<16xi32>
      %broadcast_in_dim3A_290 = vector.shape_cast %select_n3A_289 : vector<16xi32> to vector<16x1xi32>
      %gather3A_291 = vector.shape_cast %broadcast_in_dim3A_290 : vector<16x1xi32> to vector<16xi32>
      %gather3A_292 = tpu.dynamic_gather %max3A_279[%gather3A_291] in [0] : vector<16xf32>, vector<16xi32> -> vector<16xf32>
      %max3A_293 = arith.maximumf %max3A_279, %gather3A_292 : vector<16xf32>
      %xor3A_294 = arith.constant 4 : i32
      %xor3A_295 = vector.broadcast %xor3A_294 : i32 to vector<16xi32>
      %xor3A_296 = arith.xori %iota3A, %xor3A_295 : vector<16xi32>
      %lt3A_297 = arith.constant 0 : i32
      %lt3A_298 = vector.broadcast %lt3A_297 : i32 to vector<16xi32>
      %lt3A_299 = arith.cmpi slt, %xor3A_296, %lt3A_298 : vector<16xi32>
      %add3A_300 = arith.constant 16 : i32
      %add3A_301 = vector.broadcast %add3A_300 : i32 to vector<16xi32>
      %add3A_302 = arith.addi %xor3A_296, %add3A_301 : vector<16xi32>
      %select_n3A_303 = arith.select %lt3A_299, %add3A_302, %xor3A_296 : vector<16xi1>, vector<16xi32>
      %broadcast_in_dim3A_304 = vector.shape_cast %select_n3A_303 : vector<16xi32> to vector<16x1xi32>
      %gather3A_305 = vector.shape_cast %broadcast_in_dim3A_304 : vector<16x1xi32> to vector<16xi32>
      %gather3A_306 = tpu.dynamic_gather %max3A_293[%gather3A_305] in [0] : vector<16xf32>, vector<16xi32> -> vector<16xf32>
      %max3A_307 = arith.maximumf %max3A_293, %gather3A_306 : vector<16xf32>
      %xor3A_308 = arith.constant 8 : i32
      %xor3A_309 = vector.broadcast %xor3A_308 : i32 to vector<16xi32>
      %xor3A_310 = arith.xori %iota3A, %xor3A_309 : vector<16xi32>
      %lt3A_311 = arith.constant 0 : i32
      %lt3A_312 = vector.broadcast %lt3A_311 : i32 to vector<16xi32>
      %lt3A_313 = arith.cmpi slt, %xor3A_310, %lt3A_312 : vector<16xi32>
      %add3A_314 = arith.constant 16 : i32
      %add3A_315 = vector.broadcast %add3A_314 : i32 to vector<16xi32>
      %add3A_316 = arith.addi %xor3A_310, %add3A_315 : vector<16xi32>
      %select_n3A_317 = arith.select %lt3A_313, %add3A_316, %xor3A_310 : vector<16xi1>, vector<16xi32>
      %broadcast_in_dim3A_318 = vector.shape_cast %select_n3A_317 : vector<16xi32> to vector<16x1xi32>
      %gather3A_319 = vector.shape_cast %broadcast_in_dim3A_318 : vector<16x1xi32> to vector<16xi32>
      %gather3A_320 = tpu.dynamic_gather %max3A_307[%gather3A_319] in [0] : vector<16xf32>, vector<16xi32> -> vector<16xf32>
      %max3A_321 = arith.maximumf %max3A_307, %gather3A_320 : vector<16xf32>
      %eq3A_322 = arith.cmpf oeq, %scan3A_264#0, %max3A_321 : vector<16xf32>
      %jit3A_323 = arith.constant 1073741824 : i32
      %broadcast_in_dim3A_324 = vector.broadcast %jit3A_323 : i32 to vector<16xi32>
      %select_n3A_325 = arith.select %eq3A_322, %scan3A_264#1, %broadcast_in_dim3A_324 : vector<16xi1>, vector<16xi32>
      %xor3A_326 = arith.constant 1 : i32
      %xor3A_327 = vector.broadcast %xor3A_326 : i32 to vector<16xi32>
      %xor3A_328 = arith.xori %iota3A, %xor3A_327 : vector<16xi32>
      %lt3A_329 = arith.constant 0 : i32
      %lt3A_330 = vector.broadcast %lt3A_329 : i32 to vector<16xi32>
      %lt3A_331 = arith.cmpi slt, %xor3A_328, %lt3A_330 : vector<16xi32>
      %add3A_332 = arith.constant 16 : i32
      %add3A_333 = vector.broadcast %add3A_332 : i32 to vector<16xi32>
      %add3A_334 = arith.addi %xor3A_328, %add3A_333 : vector<16xi32>
      %select_n3A_335 = arith.select %lt3A_331, %add3A_334, %xor3A_328 : vector<16xi1>, vector<16xi32>
      %broadcast_in_dim3A_336 = vector.shape_cast %select_n3A_335 : vector<16xi32> to vector<16x1xi32>
      %gather3A_337 = vector.shape_cast %broadcast_in_dim3A_336 : vector<16x1xi32> to vector<16xi32>
      %gather3A_338 = tpu.dynamic_gather %select_n3A_325[%gather3A_337] in [0] : vector<16xi32>, vector<16xi32> -> vector<16xi32>
      %min3A_339 = arith.minsi %select_n3A_325, %gather3A_338 : vector<16xi32>
      %xor3A_340 = arith.constant 2 : i32
      %xor3A_341 = vector.broadcast %xor3A_340 : i32 to vector<16xi32>
      %xor3A_342 = arith.xori %iota3A, %xor3A_341 : vector<16xi32>
      %lt3A_343 = arith.constant 0 : i32
      %lt3A_344 = vector.broadcast %lt3A_343 : i32 to vector<16xi32>
      %lt3A_345 = arith.cmpi slt, %xor3A_342, %lt3A_344 : vector<16xi32>
      %add3A_346 = arith.constant 16 : i32
      %add3A_347 = vector.broadcast %add3A_346 : i32 to vector<16xi32>
      %add3A_348 = arith.addi %xor3A_342, %add3A_347 : vector<16xi32>
      %select_n3A_349 = arith.select %lt3A_345, %add3A_348, %xor3A_342 : vector<16xi1>, vector<16xi32>
      %broadcast_in_dim3A_350 = vector.shape_cast %select_n3A_349 : vector<16xi32> to vector<16x1xi32>
      %gather3A_351 = vector.shape_cast %broadcast_in_dim3A_350 : vector<16x1xi32> to vector<16xi32>
      %gather3A_352 = tpu.dynamic_gather %min3A_339[%gather3A_351] in [0] : vector<16xi32>, vector<16xi32> -> vector<16xi32>
      %min3A_353 = arith.minsi %min3A_339, %gather3A_352 : vector<16xi32>
      %xor3A_354 = arith.constant 4 : i32
      %xor3A_355 = vector.broadcast %xor3A_354 : i32 to vector<16xi32>
      %xor3A_356 = arith.xori %iota3A, %xor3A_355 : vector<16xi32>
      %lt3A_357 = arith.constant 0 : i32
      %lt3A_358 = vector.broadcast %lt3A_357 : i32 to vector<16xi32>
      %lt3A_359 = arith.cmpi slt, %xor3A_356, %lt3A_358 : vector<16xi32>
      %add3A_360 = arith.constant 16 : i32
      %add3A_361 = vector.broadcast %add3A_360 : i32 to vector<16xi32>
      %add3A_362 = arith.addi %xor3A_356, %add3A_361 : vector<16xi32>
      %select_n3A_363 = arith.select %lt3A_359, %add3A_362, %xor3A_356 : vector<16xi1>, vector<16xi32>
      %broadcast_in_dim3A_364 = vector.shape_cast %select_n3A_363 : vector<16xi32> to vector<16x1xi32>
      %gather3A_365 = vector.shape_cast %broadcast_in_dim3A_364 : vector<16x1xi32> to vector<16xi32>
      %gather3A_366 = tpu.dynamic_gather %min3A_353[%gather3A_365] in [0] : vector<16xi32>, vector<16xi32> -> vector<16xi32>
      %min3A_367 = arith.minsi %min3A_353, %gather3A_366 : vector<16xi32>
      %xor3A_368 = arith.constant 8 : i32
      %xor3A_369 = vector.broadcast %xor3A_368 : i32 to vector<16xi32>
      %xor3A_370 = arith.xori %iota3A, %xor3A_369 : vector<16xi32>
      %lt3A_371 = arith.constant 0 : i32
      %lt3A_372 = vector.broadcast %lt3A_371 : i32 to vector<16xi32>
      %lt3A_373 = arith.cmpi slt, %xor3A_370, %lt3A_372 : vector<16xi32>
      %add3A_374 = arith.constant 16 : i32
      %add3A_375 = vector.broadcast %add3A_374 : i32 to vector<16xi32>
      %add3A_376 = arith.addi %xor3A_370, %add3A_375 : vector<16xi32>
      %select_n3A_377 = arith.select %lt3A_373, %add3A_376, %xor3A_370 : vector<16xi1>, vector<16xi32>
      %broadcast_in_dim3A_378 = vector.shape_cast %select_n3A_377 : vector<16xi32> to vector<16x1xi32>
      %gather3A_379 = vector.shape_cast %broadcast_in_dim3A_378 : vector<16x1xi32> to vector<16xi32>
      %gather3A_380 = tpu.dynamic_gather %min3A_367[%gather3A_379] in [0] : vector<16xi32>, vector<16xi32> -> vector<16xi32>
      %min3A_381 = arith.minsi %min3A_367, %gather3A_380 : vector<16xi32>
      %eq3A_382 = arith.constant 2 : i32
      %eq3A_383 = vector.broadcast %eq3A_382 : i32 to vector<16xi32>
      %eq3A_384 = arith.cmpi eq, %iota3A, %eq3A_383 : vector<16xi32>
      %select_n3A_385 = arith.select %eq3A_384, %min3A_381, %select_n3A_255 : vector<16xi1>, vector<16xi32>
      %broadcast_in_dim3A_386 = arith.constant -3.000000e+38 : f32
      %broadcast_in_dim3A_387 = vector.broadcast %broadcast_in_dim3A_386 : f32 to vector<16xf32>
      %broadcast_in_dim3A_388 = arith.constant 0 : i32
      %broadcast_in_dim3A_389 = vector.broadcast %broadcast_in_dim3A_388 : i32 to vector<16xi32>
      %scan3A_390 = arith.constant 0 : i32
      %scan3A_391 = arith.constant 64 : i32
      %scan3A_392 = arith.addi %scan3A_390, %scan3A_391 : i32
      %scan3A_393 = arith.constant 1 : i32
      %scan3A_394:2 = scf.for %scan3A_659 = %scan3A_390 to %scan3A_392 step %scan3A_393 iter_args(%scan3A_660 = %broadcast_in_dim3A_387, %scan3A_661 = %broadcast_in_dim3A_389) -> (vector<16xf32>, vector<16xi32>)  : i32 {
        %mul3A_662 = arith.constant 16 : i32
        %mul3A_663 = arith.muli %scan3A_659, %mul3A_662 : i32
        %get3A = arith.index_cast %mul3A_663 : i32 to index
        %get3A_664 = tpu.vector_load %arg5[%get3A] {strides = array<i32>} : memref<1024xf32, #tpu.memory_space<vmem>>, vector<16xf32>,
        %get3A_665 = vector.shape_cast %get3A_664 : vector<16xf32> to vector<16xf32>
        %mul3A_666 = arith.constant 16 : i32
        %mul3A_667 = arith.muli %scan3A_659, %mul3A_666 : i32
        %add3A_668 = vector.broadcast %mul3A_667 : i32 to vector<16xi32>
        %add3A_669 = arith.addi %add3A_668, %iota3A : vector<16xi32>
        %gt3A = arith.cmpf ogt, %get3A_665, %scan3A_660 : vector<16xf32>
        %ne3A = arith.cmpi ne, %add3A_669, %min3A_121 : vector<16xi32>
        %and3A = arith.andi %gt3A, %ne3A : vector<16xi1>
        %ne3A_670 = arith.cmpi ne, %add3A_669, %min3A_251 : vector<16xi32>
        %and3A_671 = arith.andi %and3A, %ne3A_670 : vector<16xi1>
        %ne3A_672 = arith.cmpi ne, %add3A_669, %min3A_381 : vector<16xi32>
        %and3A_673 = arith.andi %and3A_671, %ne3A_672 : vector<16xi1>
        %select_n3A_674 = arith.select %and3A_673, %get3A_665, %scan3A_660 : vector<16xi1>, vector<16xf32>
        %select_n3A_675 = arith.select %and3A_673, %add3A_669, %scan3A_661 : vector<16xi1>, vector<16xi32>
        scf.yield %select_n3A_674, %select_n3A_675 : vector<16xf32>, vector<16xi32>
      }
      %scan3A_395 = arith.constant 64 : i32
      %xor3A_396 = arith.constant 1 : i32
      %xor3A_397 = vector.broadcast %xor3A_396 : i32 to vector<16xi32>
      %xor3A_398 = arith.xori %iota3A, %xor3A_397 : vector<16xi32>
      %lt3A_399 = arith.constant 0 : i32
      %lt3A_400 = vector.broadcast %lt3A_399 : i32 to vector<16xi32>
      %lt3A_401 = arith.cmpi slt, %xor3A_398, %lt3A_400 : vector<16xi32>
      %add3A_402 = arith.constant 16 : i32
      %add3A_403 = vector.broadcast %add3A_402 : i32 to vector<16xi32>
      %add3A_404 = arith.addi %xor3A_398, %add3A_403 : vector<16xi32>
      %select_n3A_405 = arith.select %lt3A_401, %add3A_404, %xor3A_398 : vector<16xi1>, vector<16xi32>
      %broadcast_in_dim3A_406 = vector.shape_cast %select_n3A_405 : vector<16xi32> to vector<16x1xi32>
      %gather3A_407 = vector.shape_cast %broadcast_in_dim3A_406 : vector<16x1xi32> to vector<16xi32>
      %gather3A_408 = tpu.dynamic_gather %scan3A_394#0[%gather3A_407] in [0] : vector<16xf32>, vector<16xi32> -> vector<16xf32>
      %max3A_409 = arith.maximumf %scan3A_394#0, %gather3A_408 : vector<16xf32>
      %xor3A_410 = arith.constant 2 : i32
      %xor3A_411 = vector.broadcast %xor3A_410 : i32 to vector<16xi32>
      %xor3A_412 = arith.xori %iota3A, %xor3A_411 : vector<16xi32>
      %lt3A_413 = arith.constant 0 : i32
      %lt3A_414 = vector.broadcast %lt3A_413 : i32 to vector<16xi32>
      %lt3A_415 = arith.cmpi slt, %xor3A_412, %lt3A_414 : vector<16xi32>
      %add3A_416 = arith.constant 16 : i32
      %add3A_417 = vector.broadcast %add3A_416 : i32 to vector<16xi32>
      %add3A_418 = arith.addi %xor3A_412, %add3A_417 : vector<16xi32>
      %select_n3A_419 = arith.select %lt3A_415, %add3A_418, %xor3A_412 : vector<16xi1>, vector<16xi32>
      %broadcast_in_dim3A_420 = vector.shape_cast %select_n3A_419 : vector<16xi32> to vector<16x1xi32>
      %gather3A_421 = vector.shape_cast %broadcast_in_dim3A_420 : vector<16x1xi32> to vector<16xi32>
      %gather3A_422 = tpu.dynamic_gather %max3A_409[%gather3A_421] in [0] : vector<16xf32>, vector<16xi32> -> vector<16xf32>
      %max3A_423 = arith.maximumf %max3A_409, %gather3A_422 : vector<16xf32>
      %xor3A_424 = arith.constant 4 : i32
      %xor3A_425 = vector.broadcast %xor3A_424 : i32 to vector<16xi32>
      %xor3A_426 = arith.xori %iota3A, %xor3A_425 : vector<16xi32>
      %lt3A_427 = arith.constant 0 : i32
      %lt3A_428 = vector.broadcast %lt3A_427 : i32 to vector<16xi32>
      %lt3A_429 = arith.cmpi slt, %xor3A_426, %lt3A_428 : vector<16xi32>
      %add3A_430 = arith.constant 16 : i32
      %add3A_431 = vector.broadcast %add3A_430 : i32 to vector<16xi32>
      %add3A_432 = arith.addi %xor3A_426, %add3A_431 : vector<16xi32>
      %select_n3A_433 = arith.select %lt3A_429, %add3A_432, %xor3A_426 : vector<16xi1>, vector<16xi32>
      %broadcast_in_dim3A_434 = vector.shape_cast %select_n3A_433 : vector<16xi32> to vector<16x1xi32>
      %gather3A_435 = vector.shape_cast %broadcast_in_dim3A_434 : vector<16x1xi32> to vector<16xi32>
      %gather3A_436 = tpu.dynamic_gather %max3A_423[%gather3A_435] in [0] : vector<16xf32>, vector<16xi32> -> vector<16xf32>
      %max3A_437 = arith.maximumf %max3A_423, %gather3A_436 : vector<16xf32>
      %xor3A_438 = arith.constant 8 : i32
      %xor3A_439 = vector.broadcast %xor3A_438 : i32 to vector<16xi32>
      %xor3A_440 = arith.xori %iota3A, %xor3A_439 : vector<16xi32>
      %lt3A_441 = arith.constant 0 : i32
      %lt3A_442 = vector.broadcast %lt3A_441 : i32 to vector<16xi32>
      %lt3A_443 = arith.cmpi slt, %xor3A_440, %lt3A_442 : vector<16xi32>
      %add3A_444 = arith.constant 16 : i32
      %add3A_445 = vector.broadcast %add3A_444 : i32 to vector<16xi32>
      %add3A_446 = arith.addi %xor3A_440, %add3A_445 : vector<16xi32>
      %select_n3A_447 = arith.select %lt3A_443, %add3A_446, %xor3A_440 : vector<16xi1>, vector<16xi32>
      %broadcast_in_dim3A_448 = vector.shape_cast %select_n3A_447 : vector<16xi32> to vector<16x1xi32>
      %gather3A_449 = vector.shape_cast %broadcast_in_dim3A_448 : vector<16x1xi32> to vector<16xi32>
      %gather3A_450 = tpu.dynamic_gather %max3A_437[%gather3A_449] in [0] : vector<16xf32>, vector<16xi32> -> vector<16xf32>
      %max3A_451 = arith.maximumf %max3A_437, %gather3A_450 : vector<16xf32>
      %eq3A_452 = arith.cmpf oeq, %scan3A_394#0, %max3A_451 : vector<16xf32>
      %jit3A_453 = arith.constant 1073741824 : i32
      %broadcast_in_dim3A_454 = vector.broadcast %jit3A_453 : i32 to vector<16xi32>
      %select_n3A_455 = arith.select %eq3A_452, %scan3A_394#1, %broadcast_in_dim3A_454 : vector<16xi1>, vector<16xi32>
      %xor3A_456 = arith.constant 1 : i32
      %xor3A_457 = vector.broadcast %xor3A_456 : i32 to vector<16xi32>
      %xor3A_458 = arith.xori %iota3A, %xor3A_457 : vector<16xi32>
      %lt3A_459 = arith.constant 0 : i32
      %lt3A_460 = vector.broadcast %lt3A_459 : i32 to vector<16xi32>
      %lt3A_461 = arith.cmpi slt, %xor3A_458, %lt3A_460 : vector<16xi32>
      %add3A_462 = arith.constant 16 : i32
      %add3A_463 = vector.broadcast %add3A_462 : i32 to vector<16xi32>
      %add3A_464 = arith.addi %xor3A_458, %add3A_463 : vector<16xi32>
      %select_n3A_465 = arith.select %lt3A_461, %add3A_464, %xor3A_458 : vector<16xi1>, vector<16xi32>
      %broadcast_in_dim3A_466 = vector.shape_cast %select_n3A_465 : vector<16xi32> to vector<16x1xi32>
      %gather3A_467 = vector.shape_cast %broadcast_in_dim3A_466 : vector<16x1xi32> to vector<16xi32>
      %gather3A_468 = tpu.dynamic_gather %select_n3A_455[%gather3A_467] in [0] : vector<16xi32>, vector<16xi32> -> vector<16xi32>
      %min3A_469 = arith.minsi %select_n3A_455, %gather3A_468 : vector<16xi32>
      %xor3A_470 = arith.constant 2 : i32
      %xor3A_471 = vector.broadcast %xor3A_470 : i32 to vector<16xi32>
      %xor3A_472 = arith.xori %iota3A, %xor3A_471 : vector<16xi32>
      %lt3A_473 = arith.constant 0 : i32
      %lt3A_474 = vector.broadcast %lt3A_473 : i32 to vector<16xi32>
      %lt3A_475 = arith.cmpi slt, %xor3A_472, %lt3A_474 : vector<16xi32>
      %add3A_476 = arith.constant 16 : i32
      %add3A_477 = vector.broadcast %add3A_476 : i32 to vector<16xi32>
      %add3A_478 = arith.addi %xor3A_472, %add3A_477 : vector<16xi32>
      %select_n3A_479 = arith.select %lt3A_475, %add3A_478, %xor3A_472 : vector<16xi1>, vector<16xi32>
      %broadcast_in_dim3A_480 = vector.shape_cast %select_n3A_479 : vector<16xi32> to vector<16x1xi32>
      %gather3A_481 = vector.shape_cast %broadcast_in_dim3A_480 : vector<16x1xi32> to vector<16xi32>
      %gather3A_482 = tpu.dynamic_gather %min3A_469[%gather3A_481] in [0] : vector<16xi32>, vector<16xi32> -> vector<16xi32>
      %min3A_483 = arith.minsi %min3A_469, %gather3A_482 : vector<16xi32>
      %xor3A_484 = arith.constant 4 : i32
      %xor3A_485 = vector.broadcast %xor3A_484 : i32 to vector<16xi32>
      %xor3A_486 = arith.xori %iota3A, %xor3A_485 : vector<16xi32>
      %lt3A_487 = arith.constant 0 : i32
      %lt3A_488 = vector.broadcast %lt3A_487 : i32 to vector<16xi32>
      %lt3A_489 = arith.cmpi slt, %xor3A_486, %lt3A_488 : vector<16xi32>
      %add3A_490 = arith.constant 16 : i32
      %add3A_491 = vector.broadcast %add3A_490 : i32 to vector<16xi32>
      %add3A_492 = arith.addi %xor3A_486, %add3A_491 : vector<16xi32>
      %select_n3A_493 = arith.select %lt3A_489, %add3A_492, %xor3A_486 : vector<16xi1>, vector<16xi32>
      %broadcast_in_dim3A_494 = vector.shape_cast %select_n3A_493 : vector<16xi32> to vector<16x1xi32>
      %gather3A_495 = vector.shape_cast %broadcast_in_dim3A_494 : vector<16x1xi32> to vector<16xi32>
      %gather3A_496 = tpu.dynamic_gather %min3A_483[%gather3A_495] in [0] : vector<16xi32>, vector<16xi32> -> vector<16xi32>
      %min3A_497 = arith.minsi %min3A_483, %gather3A_496 : vector<16xi32>
      %xor3A_498 = arith.constant 8 : i32
      %xor3A_499 = vector.broadcast %xor3A_498 : i32 to vector<16xi32>
      %xor3A_500 = arith.xori %iota3A, %xor3A_499 : vector<16xi32>
      %lt3A_501 = arith.constant 0 : i32
      %lt3A_502 = vector.broadcast %lt3A_501 : i32 to vector<16xi32>
      %lt3A_503 = arith.cmpi slt, %xor3A_500, %lt3A_502 : vector<16xi32>
      %add3A_504 = arith.constant 16 : i32
      %add3A_505 = vector.broadcast %add3A_504 : i32 to vector<16xi32>
      %add3A_506 = arith.addi %xor3A_500, %add3A_505 : vector<16xi32>
      %select_n3A_507 = arith.select %lt3A_503, %add3A_506, %xor3A_500 : vector<16xi1>, vector<16xi32>
      %broadcast_in_dim3A_508 = vector.shape_cast %select_n3A_507 : vector<16xi32> to vector<16x1xi32>
      %gather3A_509 = vector.shape_cast %broadcast_in_dim3A_508 : vector<16x1xi32> to vector<16xi32>
      %gather3A_510 = tpu.dynamic_gather %min3A_497[%gather3A_509] in [0] : vector<16xi32>, vector<16xi32> -> vector<16xi32>
      %min3A_511 = arith.minsi %min3A_497, %gather3A_510 : vector<16xi32>
      %eq3A_512 = arith.constant 3 : i32
      %eq3A_513 = vector.broadcast %eq3A_512 : i32 to vector<16xi32>
      %eq3A_514 = arith.cmpi eq, %iota3A, %eq3A_513 : vector<16xi32>
      %select_n3A_515 = arith.select %eq3A_514, %min3A_511, %select_n3A_385 : vector<16xi1>, vector<16xi32>
      %broadcast_in_dim3A_516 = arith.constant -3.000000e+38 : f32
      %broadcast_in_dim3A_517 = vector.broadcast %broadcast_in_dim3A_516 : f32 to vector<16xf32>
      %broadcast_in_dim3A_518 = arith.constant 0 : i32
      %broadcast_in_dim3A_519 = vector.broadcast %broadcast_in_dim3A_518 : i32 to vector<16xi32>
      %scan3A_520 = arith.constant 0 : i32
      %scan3A_521 = arith.constant 64 : i32
      %scan3A_522 = arith.addi %scan3A_520, %scan3A_521 : i32
      %scan3A_523 = arith.constant 1 : i32
      %scan3A_524:2 = scf.for %scan3A_659 = %scan3A_520 to %scan3A_522 step %scan3A_523 iter_args(%scan3A_660 = %broadcast_in_dim3A_517, %scan3A_661 = %broadcast_in_dim3A_519) -> (vector<16xf32>, vector<16xi32>)  : i32 {
        %mul3A_662 = arith.constant 16 : i32
        %mul3A_663 = arith.muli %scan3A_659, %mul3A_662 : i32
        %get3A = arith.index_cast %mul3A_663 : i32 to index
        %get3A_664 = tpu.vector_load %arg5[%get3A] {strides = array<i32>} : memref<1024xf32, #tpu.memory_space<vmem>>, vector<16xf32>,
        %get3A_665 = vector.shape_cast %get3A_664 : vector<16xf32> to vector<16xf32>
        %mul3A_666 = arith.constant 16 : i32
        %mul3A_667 = arith.muli %scan3A_659, %mul3A_666 : i32
        %add3A_668 = vector.broadcast %mul3A_667 : i32 to vector<16xi32>
        %add3A_669 = arith.addi %add3A_668, %iota3A : vector<16xi32>
        %gt3A = arith.cmpf ogt, %get3A_665, %scan3A_660 : vector<16xf32>
        %ne3A = arith.cmpi ne, %add3A_669, %min3A_121 : vector<16xi32>
        %and3A = arith.andi %gt3A, %ne3A : vector<16xi1>
        %ne3A_670 = arith.cmpi ne, %add3A_669, %min3A_251 : vector<16xi32>
        %and3A_671 = arith.andi %and3A, %ne3A_670 : vector<16xi1>
        %ne3A_672 = arith.cmpi ne, %add3A_669, %min3A_381 : vector<16xi32>
        %and3A_673 = arith.andi %and3A_671, %ne3A_672 : vector<16xi1>
        %ne3A_674 = arith.cmpi ne, %add3A_669, %min3A_511 : vector<16xi32>
        %and3A_675 = arith.andi %and3A_673, %ne3A_674 : vector<16xi1>
        %select_n3A_676 = arith.select %and3A_675, %get3A_665, %scan3A_660 : vector<16xi1>, vector<16xf32>
        %select_n3A_677 = arith.select %and3A_675, %add3A_669, %scan3A_661 : vector<16xi1>, vector<16xi32>
        scf.yield %select_n3A_676, %select_n3A_677 : vector<16xf32>, vector<16xi32>
      }
      %scan3A_525 = arith.constant 64 : i32
      %xor3A_526 = arith.constant 1 : i32
      %xor3A_527 = vector.broadcast %xor3A_526 : i32 to vector<16xi32>
      %xor3A_528 = arith.xori %iota3A, %xor3A_527 : vector<16xi32>
      %lt3A_529 = arith.constant 0 : i32
      %lt3A_530 = vector.broadcast %lt3A_529 : i32 to vector<16xi32>
      %lt3A_531 = arith.cmpi slt, %xor3A_528, %lt3A_530 : vector<16xi32>
      %add3A_532 = arith.constant 16 : i32
      %add3A_533 = vector.broadcast %add3A_532 : i32 to vector<16xi32>
      %add3A_534 = arith.addi %xor3A_528, %add3A_533 : vector<16xi32>
      %select_n3A_535 = arith.select %lt3A_531, %add3A_534, %xor3A_528 : vector<16xi1>, vector<16xi32>
      %broadcast_in_dim3A_536 = vector.shape_cast %select_n3A_535 : vector<16xi32> to vector<16x1xi32>
      %gather3A_537 = vector.shape_cast %broadcast_in_dim3A_536 : vector<16x1xi32> to vector<16xi32>
      %gather3A_538 = tpu.dynamic_gather %scan3A_524#0[%gather3A_537] in [0] : vector<16xf32>, vector<16xi32> -> vector<16xf32>
      %max3A_539 = arith.maximumf %scan3A_524#0, %gather3A_538 : vector<16xf32>
      %xor3A_540 = arith.constant 2 : i32
      %xor3A_541 = vector.broadcast %xor3A_540 : i32 to vector<16xi32>
      %xor3A_542 = arith.xori %iota3A, %xor3A_541 : vector<16xi32>
      %lt3A_543 = arith.constant 0 : i32
      %lt3A_544 = vector.broadcast %lt3A_543 : i32 to vector<16xi32>
      %lt3A_545 = arith.cmpi slt, %xor3A_542, %lt3A_544 : vector<16xi32>
      %add3A_546 = arith.constant 16 : i32
      %add3A_547 = vector.broadcast %add3A_546 : i32 to vector<16xi32>
      %add3A_548 = arith.addi %xor3A_542, %add3A_547 : vector<16xi32>
      %select_n3A_549 = arith.select %lt3A_545, %add3A_548, %xor3A_542 : vector<16xi1>, vector<16xi32>
      %broadcast_in_dim3A_550 = vector.shape_cast %select_n3A_549 : vector<16xi32> to vector<16x1xi32>
      %gather3A_551 = vector.shape_cast %broadcast_in_dim3A_550 : vector<16x1xi32> to vector<16xi32>
      %gather3A_552 = tpu.dynamic_gather %max3A_539[%gather3A_551] in [0] : vector<16xf32>, vector<16xi32> -> vector<16xf32>
      %max3A_553 = arith.maximumf %max3A_539, %gather3A_552 : vector<16xf32>
      %xor3A_554 = arith.constant 4 : i32
      %xor3A_555 = vector.broadcast %xor3A_554 : i32 to vector<16xi32>
      %xor3A_556 = arith.xori %iota3A, %xor3A_555 : vector<16xi32>
      %lt3A_557 = arith.constant 0 : i32
      %lt3A_558 = vector.broadcast %lt3A_557 : i32 to vector<16xi32>
      %lt3A_559 = arith.cmpi slt, %xor3A_556, %lt3A_558 : vector<16xi32>
      %add3A_560 = arith.constant 16 : i32
      %add3A_561 = vector.broadcast %add3A_560 : i32 to vector<16xi32>
      %add3A_562 = arith.addi %xor3A_556, %add3A_561 : vector<16xi32>
      %select_n3A_563 = arith.select %lt3A_559, %add3A_562, %xor3A_556 : vector<16xi1>, vector<16xi32>
      %broadcast_in_dim3A_564 = vector.shape_cast %select_n3A_563 : vector<16xi32> to vector<16x1xi32>
      %gather3A_565 = vector.shape_cast %broadcast_in_dim3A_564 : vector<16x1xi32> to vector<16xi32>
      %gather3A_566 = tpu.dynamic_gather %max3A_553[%gather3A_565] in [0] : vector<16xf32>, vector<16xi32> -> vector<16xf32>
      %max3A_567 = arith.maximumf %max3A_553, %gather3A_566 : vector<16xf32>
      %xor3A_568 = arith.constant 8 : i32
      %xor3A_569 = vector.broadcast %xor3A_568 : i32 to vector<16xi32>
      %xor3A_570 = arith.xori %iota3A, %xor3A_569 : vector<16xi32>
      %lt3A_571 = arith.constant 0 : i32
      %lt3A_572 = vector.broadcast %lt3A_571 : i32 to vector<16xi32>
      %lt3A_573 = arith.cmpi slt, %xor3A_570, %lt3A_572 : vector<16xi32>
      %add3A_574 = arith.constant 16 : i32
      %add3A_575 = vector.broadcast %add3A_574 : i32 to vector<16xi32>
      %add3A_576 = arith.addi %xor3A_570, %add3A_575 : vector<16xi32>
      %select_n3A_577 = arith.select %lt3A_573, %add3A_576, %xor3A_570 : vector<16xi1>, vector<16xi32>
      %broadcast_in_dim3A_578 = vector.shape_cast %select_n3A_577 : vector<16xi32> to vector<16x1xi32>
      %gather3A_579 = vector.shape_cast %broadcast_in_dim3A_578 : vector<16x1xi32> to vector<16xi32>
      %gather3A_580 = tpu.dynamic_gather %max3A_567[%gather3A_579] in [0] : vector<16xf32>, vector<16xi32> -> vector<16xf32>
      %max3A_581 = arith.maximumf %max3A_567, %gather3A_580 : vector<16xf32>
      %eq3A_582 = arith.cmpf oeq, %scan3A_524#0, %max3A_581 : vector<16xf32>
      %jit3A_583 = arith.constant 1073741824 : i32
      %broadcast_in_dim3A_584 = vector.broadcast %jit3A_583 : i32 to vector<16xi32>
      %select_n3A_585 = arith.select %eq3A_582, %scan3A_524#1, %broadcast_in_dim3A_584 : vector<16xi1>, vector<16xi32>
      %xor3A_586 = arith.constant 1 : i32
      %xor3A_587 = vector.broadcast %xor3A_586 : i32 to vector<16xi32>
      %xor3A_588 = arith.xori %iota3A, %xor3A_587 : vector<16xi32>
      %lt3A_589 = arith.constant 0 : i32
      %lt3A_590 = vector.broadcast %lt3A_589 : i32 to vector<16xi32>
      %lt3A_591 = arith.cmpi slt, %xor3A_588, %lt3A_590 : vector<16xi32>
      %add3A_592 = arith.constant 16 : i32
      %add3A_593 = vector.broadcast %add3A_592 : i32 to vector<16xi32>
      %add3A_594 = arith.addi %xor3A_588, %add3A_593 : vector<16xi32>
      %select_n3A_595 = arith.select %lt3A_591, %add3A_594, %xor3A_588 : vector<16xi1>, vector<16xi32>
      %broadcast_in_dim3A_596 = vector.shape_cast %select_n3A_595 : vector<16xi32> to vector<16x1xi32>
      %gather3A_597 = vector.shape_cast %broadcast_in_dim3A_596 : vector<16x1xi32> to vector<16xi32>
      %gather3A_598 = tpu.dynamic_gather %select_n3A_585[%gather3A_597] in [0] : vector<16xi32>, vector<16xi32> -> vector<16xi32>
      %min3A_599 = arith.minsi %select_n3A_585, %gather3A_598 : vector<16xi32>
      %xor3A_600 = arith.constant 2 : i32
      %xor3A_601 = vector.broadcast %xor3A_600 : i32 to vector<16xi32>
      %xor3A_602 = arith.xori %iota3A, %xor3A_601 : vector<16xi32>
      %lt3A_603 = arith.constant 0 : i32
      %lt3A_604 = vector.broadcast %lt3A_603 : i32 to vector<16xi32>
      %lt3A_605 = arith.cmpi slt, %xor3A_602, %lt3A_604 : vector<16xi32>
      %add3A_606 = arith.constant 16 : i32
      %add3A_607 = vector.broadcast %add3A_606 : i32 to vector<16xi32>
      %add3A_608 = arith.addi %xor3A_602, %add3A_607 : vector<16xi32>
      %select_n3A_609 = arith.select %lt3A_605, %add3A_608, %xor3A_602 : vector<16xi1>, vector<16xi32>
      %broadcast_in_dim3A_610 = vector.shape_cast %select_n3A_609 : vector<16xi32> to vector<16x1xi32>
      %gather3A_611 = vector.shape_cast %broadcast_in_dim3A_610 : vector<16x1xi32> to vector<16xi32>
      %gather3A_612 = tpu.dynamic_gather %min3A_599[%gather3A_611] in [0] : vector<16xi32>, vector<16xi32> -> vector<16xi32>
      %min3A_613 = arith.minsi %min3A_599, %gather3A_612 : vector<16xi32>
      %xor3A_614 = arith.constant 4 : i32
      %xor3A_615 = vector.broadcast %xor3A_614 : i32 to vector<16xi32>
      %xor3A_616 = arith.xori %iota3A, %xor3A_615 : vector<16xi32>
      %lt3A_617 = arith.constant 0 : i32
      %lt3A_618 = vector.broadcast %lt3A_617 : i32 to vector<16xi32>
      %lt3A_619 = arith.cmpi slt, %xor3A_616, %lt3A_618 : vector<16xi32>
      %add3A_620 = arith.constant 16 : i32
      %add3A_621 = vector.broadcast %add3A_620 : i32 to vector<16xi32>
      %add3A_622 = arith.addi %xor3A_616, %add3A_621 : vector<16xi32>
      %select_n3A_623 = arith.select %lt3A_619, %add3A_622, %xor3A_616 : vector<16xi1>, vector<16xi32>
      %broadcast_in_dim3A_624 = vector.shape_cast %select_n3A_623 : vector<16xi32> to vector<16x1xi32>
      %gather3A_625 = vector.shape_cast %broadcast_in_dim3A_624 : vector<16x1xi32> to vector<16xi32>
      %gather3A_626 = tpu.dynamic_gather %min3A_613[%gather3A_625] in [0] : vector<16xi32>, vector<16xi32> -> vector<16xi32>
      %min3A_627 = arith.minsi %min3A_613, %gather3A_626 : vector<16xi32>
      %xor3A_628 = arith.constant 8 : i32
      %xor3A_629 = vector.broadcast %xor3A_628 : i32 to vector<16xi32>
      %xor3A_630 = arith.xori %iota3A, %xor3A_629 : vector<16xi32>
      %lt3A_631 = arith.constant 0 : i32
      %lt3A_632 = vector.broadcast %lt3A_631 : i32 to vector<16xi32>
      %lt3A_633 = arith.cmpi slt, %xor3A_630, %lt3A_632 : vector<16xi32>
      %add3A_634 = arith.constant 16 : i32
      %add3A_635 = vector.broadcast %add3A_634 : i32 to vector<16xi32>
      %add3A_636 = arith.addi %xor3A_630, %add3A_635 : vector<16xi32>
      %select_n3A_637 = arith.select %lt3A_633, %add3A_636, %xor3A_630 : vector<16xi1>, vector<16xi32>
      %broadcast_in_dim3A_638 = vector.shape_cast %select_n3A_637 : vector<16xi32> to vector<16x1xi32>
      %gather3A_639 = vector.shape_cast %broadcast_in_dim3A_638 : vector<16x1xi32> to vector<16xi32>
      %gather3A_640 = tpu.dynamic_gather %min3A_627[%gather3A_639] in [0] : vector<16xi32>, vector<16xi32> -> vector<16xi32>
      %min3A_641 = arith.minsi %min3A_627, %gather3A_640 : vector<16xi32>
      %eq3A_642 = arith.constant 4 : i32
      %eq3A_643 = vector.broadcast %eq3A_642 : i32 to vector<16xi32>
      %eq3A_644 = arith.cmpi eq, %iota3A, %eq3A_643 : vector<16xi32>
      %select_n3A_645 = arith.select %eq3A_644, %min3A_641, %select_n3A_515 : vector<16xi1>, vector<16xi32>
      %swap3A = arith.constant 0 : index
      %swap3A_646 = tpu.vector_load %arg6[%swap3A] {strides = array<i32>} : memref<16xi32, #tpu.memory_space<vmem>>, vector<16xi32>,
      %swap3A_647 = vector.shape_cast %swap3A_646 : vector<16xi32> to vector<16xi32>
      %swap3A_648 = vector.shape_cast %select_n3A_645 : vector<16xi32> to vector<16xi32>
      tpu.vector_store %arg6[%swap3A], %swap3A_648 {strides = array<i32>} : memref<16xi32, #tpu.memory_space<vmem>>, vector<16xi32>,
      %dma_start3A = arith.constant 0 : i32
      %dma_start3A_649 = tpu.memref_slice %arg6[%dma_start3A] : memref<16xi32, #tpu.memory_space<vmem>> -> memref<8xi32, #tpu.memory_space<vmem>>
      %dma_start3A_650 = arith.constant 0 : i32
      %dma_start3A_651 = arith.constant 0 : i32
      %dma_start3A_652 = arith.constant 0 : i32
      %dma_start3A_653 = tpu.memref_slice %arg3[%dma_start3A_650, %dma_start3A_651, %dma_start3A_652] : memref<1024x8x768xf32, #tpu.memory_space<hbm>> -> memref<1024x8x768xf32, #tpu.memory_space<hbm>>
      tpu.enqueue_indirect_dma source(%dma_start3A_653 : memref<1024x8x768xf32, #tpu.memory_space<hbm>>) target(%arg7 : memref<8x8x768xf32, #tpu.memory_space<vmem>>) offsets(%dma_start3A_649 : memref<8xi32, #tpu.memory_space<vmem>>) semaphore(%arg8 : memref<!tpu.dma_semaphore, #tpu.memory_space<semaphore_mem>>)
      %dma_wait3A = arith.constant 0 : i32
      %dma_wait3A_654 = tpu.memref_slice %arg6[%dma_wait3A] : memref<16xi32, #tpu.memory_space<vmem>> -> memref<8xi32, #tpu.memory_space<vmem>>
      %dma_wait3A_655 = arith.constant 0 : i32
      %dma_wait3A_656 = arith.constant 0 : i32
      %dma_wait3A_657 = arith.constant 0 : i32
      %dma_wait3A_658 = tpu.memref_slice %arg3[%dma_wait3A_655, %dma_wait3A_656, %dma_wait3A_657] : memref<1024x8x768xf32, #tpu.memory_space<hbm>> -> memref<1024x8x768xf32, #tpu.memory_space<hbm>>
      tpu.wait_indirect_dma semaphore(%arg8 : memref<!tpu.dma_semaphore, #tpu.memory_space<semaphore_mem>>) src(%dma_wait3A_658 : memref<1024x8x768xf32, #tpu.memory_space<hbm>>) dst(%arg7 : memref<8x8x768xf32, #tpu.memory_space<vmem>>)
      "tpu.region"() ({
        %run_scoped3A = tpu.sem_alloc : memref<!tpu.dma_semaphore, #tpu.memory_space<semaphore_mem>>
        %dma_start3A_659 = arith.constant 0 : i32
        %dma_start3A_660 = arith.constant 0 : i32
        %dma_start3A_661 = arith.constant 0 : i32
        %dma_start3A_662 = tpu.memref_slice %arg7[%dma_start3A_659, %dma_start3A_660, %dma_start3A_661] : memref<8x8x768xf32, #tpu.memory_space<vmem>> -> memref<5x8x768xf32, #tpu.memory_space<vmem>>
        %dma_start3A_663 = arith.constant 0 : i32
        %dma_start3A_664 = arith.constant 0 : i32
        %dma_start3A_665 = arith.constant 0 : i32
        %dma_start3A_666 = tpu.memref_slice %arg7[%dma_start3A_663, %dma_start3A_664, %dma_start3A_665] : memref<8x8x768xf32, #tpu.memory_space<vmem>> -> memref<5x8x768xf32, #tpu.memory_space<vmem>>
        tpu.enqueue_dma source(%dma_start3A_666 : memref<5x8x768xf32, #tpu.memory_space<vmem>>) target(%arg4 : memref<5x8x768xf32, #tpu.memory_space<hbm>>) target_semaphore(%run_scoped3A : memref<!tpu.dma_semaphore, #tpu.memory_space<semaphore_mem>>)
        %dma_wait3A_667 = arith.constant 0 : i32
        %dma_wait3A_668 = arith.constant 0 : i32
        %dma_wait3A_669 = arith.constant 0 : i32
        %dma_wait3A_670 = tpu.memref_slice %arg7[%dma_wait3A_667, %dma_wait3A_668, %dma_wait3A_669] : memref<8x8x768xf32, #tpu.memory_space<vmem>> -> memref<5x8x768xf32, #tpu.memory_space<vmem>>
        %dma_wait3A_671 = arith.constant 0 : i32
        %dma_wait3A_672 = arith.constant 0 : i32
        %dma_wait3A_673 = arith.constant 0 : i32
        %dma_wait3A_674 = tpu.memref_slice %arg7[%dma_wait3A_671, %dma_wait3A_672, %dma_wait3A_673] : memref<8x8x768xf32, #tpu.memory_space<vmem>> -> memref<5x8x768xf32, #tpu.memory_space<vmem>>
        tpu.wait_dma2 semaphore(%run_scoped3A : memref<!tpu.dma_semaphore, #tpu.memory_space<semaphore_mem>>) src(%dma_wait3A_674 : memref<5x8x768xf32, #tpu.memory_space<vmem>>) dst(%arg4 : memref<5x8x768xf32, #tpu.memory_space<hbm>>)
        tpu.yield
      }) : () -> ()
    } else {
    }
    return
  }
}

module attributes {stable_mosaic.version = 14 : i64} {
  func.func @_bc_body(%arg0: i32, %arg1: memref<5x8x768xf32, #tpu.memory_space<vmem>>, %arg2: memref<32x5x8x768xf32, #tpu.memory_space<vmem>>) attributes {dimension_semantics = [#tpu.dimension_semantics<arbitrary>], iteration_bounds = array<i64: 32>, scalar_prefetch = 0 : i64, scratch_operands = 0 : i64, tpu.core_type = #tpu.core_type<tc>, window_params = [{pipeline_mode = #tpu.pipeline_mode<synchronous>, transform_indices = @transform_0, window_bounds = array<i64: 5, 8, 768>}, {transform_indices = @transform_1, window_bounds = array<i64: 32, 5, 8, 768>}]} {
    %get3A = arith.constant 0 : index
    %get3A_0 = arith.constant 0 : index
    %get3A_1 = arith.constant 0 : index
    %get3A_2 = vector.load %arg1[%get3A, %get3A_0, %get3A_1] : memref<5x8x768xf32, #tpu.memory_space<vmem>>, vector<5x8x768xf32>
    %broadcast_in_dim3A = vector.shape_cast %get3A_2 : vector<5x8x768xf32> to vector<1x5x8x768xf32>
    %broadcast_in_dim3A_3 = vector.shape_cast %broadcast_in_dim3A : vector<1x5x8x768xf32> to vector<1x5x8x768xf32>
    %broadcast_in_dim3A_4 = vector.broadcast %broadcast_in_dim3A_3 : vector<1x5x8x768xf32> to vector<32x5x8x768xf32>
    %swap3A = arith.constant 0 : index
    %swap3A_5 = arith.constant 0 : index
    %swap3A_6 = arith.constant 0 : index
    %swap3A_7 = arith.constant 0 : index
    %swap3A_8 = vector.load %arg2[%swap3A, %swap3A_5, %swap3A_6, %swap3A_7] : memref<32x5x8x768xf32, #tpu.memory_space<vmem>>, vector<32x5x8x768xf32>
    tpu.vector_store %arg2[%swap3A, %swap3A_5, %swap3A_6, %swap3A_7], %broadcast_in_dim3A_4 {strides = array<i32>} : memref<32x5x8x768xf32, #tpu.memory_space<vmem>>, vector<32x5x8x768xf32>,
    return
  }
  func.func @transform_0(%arg0: i32) -> (i32, i32, i32) {
    %c0_i32 = arith.constant 0 : i32
    %c0_i32_0 = arith.constant 0 : i32
    %c0_i32_1 = arith.constant 0 : i32
    %c0_i32_2 = arith.constant 0 : i32
    return %c0_i32, %c0_i32_0, %c0_i32_1 : i32, i32, i32
  }
  func.func @transform_1(%arg0: i32) -> (i32, i32, i32, i32) {
    %c0_i32 = arith.constant 0 : i32
    %c0_i32_0 = arith.constant 0 : i32
    %c0_i32_1 = arith.constant 0 : i32
    %c0_i32_2 = arith.constant 0 : i32
    return %arg0, %c0_i32, %c0_i32_0, %c0_i32_1 : i32, i32, i32, i32
  }
}

module attributes {stable_mosaic.version = 14 : i64} {
  func.func @_tc_body(%arg0: memref<1024x768xf32, #tpu.memory_space<vmem>>, %arg1: memref<1024x768xf32, #tpu.memory_space<vmem>>, %arg2: memref<1024x1024xf32, #tpu.memory_space<vmem>>, %arg3: memref<1x1024xf32, #tpu.memory_space<vmem>>) attributes {dimension_semantics = [], scalar_prefetch = 0 : i64, scratch_operands = 0 : i64, tpu.core_type = #tpu.core_type<tc>} {
    %get3A = arith.constant 0 : index
    %get3A_0 = arith.constant 0 : index
    %get3A_1 = vector.load %arg0[%get3A, %get3A_0] : memref<1024x768xf32, #tpu.memory_space<vmem>>, vector<1024x768xf32>
    %get3A_2 = arith.constant 0 : index
    %get3A_3 = arith.constant 0 : index
    %get3A_4 = vector.load %arg1[%get3A_2, %get3A_3] : memref<1024x768xf32, #tpu.memory_space<vmem>>, vector<1024x768xf32>
    %mul3A = arith.mulf %get3A_1, %get3A_1 : vector<1024x768xf32>
    %reduce_sum3A = arith.constant dense<0.000000e+00> : vector<1024xf32>
    %reduce_sum3A_5 = vector.multi_reduction <add>, %mul3A, %reduce_sum3A [1] : vector<1024x768xf32> to vector<1024xf32>
    %broadcast_in_dim3A = vector.shape_cast %reduce_sum3A_5 : vector<1024xf32> to vector<1024x1xf32>
    %sqrt3A = math.sqrt %broadcast_in_dim3A : vector<1024x1xf32>
    %max3A = arith.constant 9.99999996E-13 : f32
    %max3A_6 = vector.broadcast %max3A : f32 to vector<1024x1xf32>
    %max3A_7 = arith.maximumf %sqrt3A, %max3A_6 : vector<1024x1xf32>
    %div3A = vector.broadcast %max3A_7 : vector<1024x1xf32> to vector<1024x768xf32>
    %div3A_8 = arith.divf %get3A_1, %div3A : vector<1024x768xf32>
    %mul3A_9 = arith.mulf %get3A_4, %get3A_4 : vector<1024x768xf32>
    %reduce_sum3A_10 = arith.constant dense<0.000000e+00> : vector<1024xf32>
    %reduce_sum3A_11 = vector.multi_reduction <add>, %mul3A_9, %reduce_sum3A_10 [1] : vector<1024x768xf32> to vector<1024xf32>
    %broadcast_in_dim3A_12 = vector.shape_cast %reduce_sum3A_11 : vector<1024xf32> to vector<1024x1xf32>
    %sqrt3A_13 = math.sqrt %broadcast_in_dim3A_12 : vector<1024x1xf32>
    %max3A_14 = arith.constant 9.99999996E-13 : f32
    %max3A_15 = vector.broadcast %max3A_14 : f32 to vector<1024x1xf32>
    %max3A_16 = arith.maximumf %sqrt3A_13, %max3A_15 : vector<1024x1xf32>
    %div3A_17 = vector.broadcast %max3A_16 : vector<1024x1xf32> to vector<1024x768xf32>
    %div3A_18 = arith.divf %get3A_4, %div3A_17 : vector<1024x768xf32>
    %dot_general3A = arith.constant dense<0.000000e+00> : vector<1024x1024xf32>
    %dot_general3A_19 = tpu.matmul %div3A_8, %div3A_18, %dot_general3A {dimension_numbers = #tpu.dot_dimension_numbers<[1], [1], [0], [0], [0, 0, 1, 0], [], []>, transpose_lhs_hint = false} : vector<1024x768xf32>, vector<1024x768xf32>, vector<1024x1024xf32> -> vector<1024x1024xf32>
    %swap3A = arith.constant 0 : index
    %swap3A_20 = arith.constant 0 : index
    %swap3A_21 = vector.load %arg2[%swap3A, %swap3A_20] : memref<1024x1024xf32, #tpu.memory_space<vmem>>, vector<1024x1024xf32>
    tpu.vector_store %arg2[%swap3A, %swap3A_20], %dot_general3A_19 {strides = array<i32>} : memref<1024x1024xf32, #tpu.memory_space<vmem>>, vector<1024x1024xf32>,
    %reduce_sum3A_22 = arith.constant dense<0.000000e+00> : vector<1024xf32>
    %reduce_sum3A_23 = vector.multi_reduction <add>, %dot_general3A_19, %reduce_sum3A_22 [0] : vector<1024x1024xf32> to vector<1024xf32>
    %broadcast_in_dim3A_24 = vector.shape_cast %reduce_sum3A_23 : vector<1024xf32> to vector<1x1024xf32>
    %div3A_25 = arith.constant 1.024000e+03 : f32
    %div3A_26 = vector.broadcast %div3A_25 : f32 to vector<1x1024xf32>
    %div3A_27 = arith.divf %broadcast_in_dim3A_24, %div3A_26 : vector<1x1024xf32>
    %swap3A_28 = arith.constant 0 : index
    %swap3A_29 = arith.constant 0 : index
    %swap3A_30 = vector.load %arg3[%swap3A_28, %swap3A_29] : memref<1x1024xf32, #tpu.memory_space<vmem>>, vector<1x1024xf32>
    tpu.vector_store %arg3[%swap3A_28, %swap3A_29], %div3A_27 {strides = array<i32>} : memref<1x1024xf32, #tpu.memory_space<vmem>>, vector<1x1024xf32>,
    return
  }
}

</mosaic_0001>

<sc_bundles>
// kernel: kernel.5.cloned.1.call-start
scs
__scs_entry_jumppad:
0x0: {  	(pc) =	sbr.rel $0x88, $3  }
0x1: {  	(tag) =	ssettag $0x0;
	lr =	simm.s32 $0x1  }
0x2: {  	[smem:$0x3F9E] =	sst lr;
	_ =	strace $0xD0000000  }
0x3: {  	_ = 	snop  }
0x4: {  	_ = 	snop  }
0x5: {  	_ = 	snop  }
0x6: {  	_ = 	snop  }
0x7: {  	_ = 	snop  }
__scs_overlays_trampoline_lowered:
0x8: {  	[smem:$0x3FAD] =	sst s0  }
0x9: {  	[smem:$0x3FAE] =	sst s1  }
0xa: {  	[smem:$0x3FAF] =	sst s2  }
0xb: {  	[smem:$0x3FB0] =	sst s3  }
0xc: {  	[smem:$0x3FB1] =	sst s4  }
0xd: {  	[smem:$0x3FB2] =	sst s5  }
0xe: {  	[smem:$0x3FB3] =	sst s6  }
0xf: {  	[smem:$0x3FB4] =	sst s7  }
0x10: {  	[smem:$0x3FB5] =	sst s8  }
0x11: {  	[smem:$0x3FB6] =	sst s9;
	s0 =	simm.s32 @!p0 $0x0  }
0x12: {  	s1 =	sld [smem:$0x3F9C];
	s0 =	simm.s32 @p0 $0x1  }
0x13: {  	[smem:$0x3FB7] =	sst s0;
	s0 =	simm.s32 @!p1 $0x0  }
0x14: {  	s2 =	sld [smem:$0x3F9B];
	s0 =	simm.s32 @p1 $0x1  }
0x15: {  	[smem:$0x3FB8] =	sst s0;
	s0 =	simm.s32 @!p2 $0x0  }
0x16: {  	s3 =	sld [smem:$0x3FDB];
	s0 =	simm.s32 @p2 $0x1  }
0x17: {  	s4 =	simm.s32 $0x1BF5;
	[smem:$0x3FBA] =	sst s0  }
0x18: {  	s0 =	sld [smem:$0x3F9D];
	_ =	swait.ge [sflag:s4], $0x0  }
0x19: {  	s7 =	sld [smem:$0x3F9E]  }
0x1a: {  	s8 =	sadd.s32 $0xFFFFE003, lr  }
0x1b: {  	s9 =	sadd.s32 $0xFFFFFEF7, lr;
	s5 =	simm.s32 $0xFFFFFFFF;
	p2 =	slt.u32 s8, $0xFFFFF086  }
0x1c: {  	p1 =	slt.u32 s9, $0xF7A;
	s5 =	simm.s32 @!p2 $0x0  }
0x1d: {  	s5 =	simm.s32 @p1 $0x1;
	p0 =	seq.s32 s7, s2  }
0x1e: {  	s7 =	smul.u32 @!p0 $0xF7A, s2;
	p2 =	seq.s32 @!p0 s5, $0x0  }
0x1f: {  	s9 =	smul.u32 $0xF7A, s1;
	s8 =	simm.s32 @!p0 $0x1BF5;
	p2 =	por !p2, p0  }
0x20: {  	[sflag:s8] =	ssyncset.s32 @!p0 $0xFFFFF086;
	s6 =	sadd.s32 @!p0 s3, s7;
	s7 =	simm.s32 @!p0 $0x108  }
0x21: {  	s3 =	sadd.s32 s3, s9;
	s6 =	sadd.s32 @!p0 $0x88, s6;
	s7 =	simm.s32 @p2 $0x1082  }
0x22: {  	[simem:s7], [sflag:s8] =	dma.local @!p0 [hbm:s6], $0xF7A  }
0x23: {  	s9 =	sor.u32 $0xD0000000, s2;
	s6 =	simm.s32 $0x108;
	_ =	swait.ge @!p0 [sflag:s8], $0x0  }
0x24: {  	s3 =	sadd.s32 $0x88, s3;
	s6 =	simm.s32 @!p1 $0x1082;
	[sflag:s4] =	ssyncset.s32 $0xFFFFF086  }
0x25: {  	[simem:s6], [sflag:s4] =	dma.local [hbm:s3], $0xF7A  }
0x26: {  	[smem:$0x3F9E] =	sst s1;
	(tag) =	ssettag s2;
	_ =	strace s9  }
0x27: {  	s1 =	sld [smem:$0x3FAE]  }
0x28: {  	s2 =	sld [smem:$0x3FAF]  }
0x29: {  	s4 =	sld [smem:$0x3FB1]  }
0x2a: {  	p0 =	seq.s32 s5, $0x0;
	s5 =	sld [smem:$0x3FB2]  }
0x2b: {  	s6 =	sld [smem:$0x3FB3]  }
0x2c: {  	s7 =	sld [smem:$0x3FB4]  }
0x2d: {  	s3 =	simm.s32 $0x108;
	s8 =	sld [smem:$0x3FB5]  }
0x2e: {  	s3 =	simm.s32 @!p0 $0x1082;
	s9 =	sld [smem:$0x3FB6]  }
0x2f: {  	lr =	sadd.s32 s0, s3;
	s0 =	sld [smem:$0x3FAD]  }
0x30: {  	s3 =	sld [smem:$0x3FB0]  }
0x31: {  	[smem:$0x3FB9] =	sst s10  }
0x32: {  	s10 =	sld [smem:$0x3FB7];
	_ =	sdelay $0x3  }
0x33: {  	p0 =	seq.s32 s10, $0x1;
	s10 =	sld [smem:$0x3FB9];
	_ =	sdelay $0x3  }
0x34: {  	[smem:$0x3FB9] =	sst s10  }
0x35: {  	s10 =	sld [smem:$0x3FB8];
	_ =	sdelay $0x3  }
0x36: {  	p1 =	seq.s32 s10, $0x1;
	s10 =	sld [smem:$0x3FB9];
	_ =	sdelay $0x3  }
0x37: {  	[smem:$0x3FB9] =	sst s10  }
0x38: {  	s10 =	sld [smem:$0x3FBA]  }
0x39: {  	_ = 	snop;
	(pc) =	sbr.ind lr, $3  }
0x3a: {  	_ = 	snop  }
0x3b: {  	_ = 	snop  }
0x3c: {  	p2 =	seq.s32 s10, $0x1;
	s10 =	sld [smem:$0x3FB9]  }
0x3d: {  	_ =	shalt  }
0x3e: {  	_ =	shalt  }
0x3f: {  	_ =	shalt  }
0x40: {  	_ =	shalt  }
0x41: {  	_ =	shalt  }
0x42: {  	_ =	shalt  }
0x43: {  	_ =	shalt  }
0x44: {  	_ =	shalt  }
0x45: {  	_ =	shalt  }
0x46: {  	_ =	shalt  }
0x47: {  	_ =	shalt  }
0x48: {  	_ =	shalt  }
0x49: {  	_ =	shalt  }
0x4a: {  	_ =	shalt  }
0x4b: {  	_ =	shalt  }
0x4c: {  	_ =	shalt  }
0x4d: {  	_ =	shalt  }
0x4e: {  	_ =	shalt  }
0x4f: {  	_ =	shalt  }
0x50: {  	_ =	shalt  }
0x51: {  	_ =	shalt  }
0x52: {  	_ =	shalt  }
0x53: {  	_ =	shalt  }
0x54: {  	_ =	shalt  }
0x55: {  	_ =	shalt  }
0x56: {  	_ =	shalt  }
0x57: {  	_ =	shalt  }
0x58: {  	_ =	shalt  }
0x59: {  	_ =	shalt  }
0x5a: {  	_ =	shalt  }
0x5b: {  	_ =	shalt  }
0x5c: {  	_ =	shalt  }
0x5d: {  	_ =	shalt  }
0x5e: {  	_ =	shalt  }
0x5f: {  	_ =	shalt  }
0x60: {  	_ =	shalt  }
0x61: {  	_ =	shalt  }
0x62: {  	_ =	shalt  }
0x63: {  	_ =	shalt  }
0x64: {  	_ =	shalt  }
0x65: {  	_ =	shalt  }
0x66: {  	_ =	shalt  }
0x67: {  	_ =	shalt  }
0x68: {  	_ =	shalt  }
0x69: {  	_ =	shalt  }
0x6a: {  	_ =	shalt  }
0x6b: {  	_ =	shalt  }
0x6c: {  	_ =	shalt  }
0x6d: {  	_ =	shalt  }
0x6e: {  	_ =	shalt  }
0x6f: {  	_ =	shalt  }
0x70: {  	_ =	shalt  }
0x71: {  	_ =	shalt  }
0x72: {  	_ =	shalt  }
0x73: {  	_ =	shalt  }
0x74: {  	_ =	shalt  }
0x75: {  	_ =	shalt  }
0x76: {  	_ =	shalt  }
0x77: {  	_ =	shalt  }
0x78: {  	_ =	shalt  }
0x79: {  	_ =	shalt  }
0x7a: {  	_ =	shalt  }
0x7b: {  	_ =	shalt  }
0x7c: {  	_ =	shalt  }
0x7d: {  	_ =	shalt  }
0x7e: {  	_ =	shalt  }
0x7f: {  	_ =	shalt  }
0x80: {  	_ =	shalt  }
0x81: {  	_ =	shalt  }
0x82: {  	_ =	shalt  }
0x83: {  	_ =	shalt  }
0x84: {  	_ =	shalt  }
0x85: {  	_ =	shalt  }
0x86: {  	_ =	shalt  }
0x87: {  	_ =	shalt  }
.Lfunc_end0:
.L_simem_size_0:
called_computation_lowered:
.L_overlay_start_0:
0x88: {  	s2 =	sld [smem:$0x3FD9]  }
0x89: {  	s3 =	sld [smem:$0x3FFE];
	_ =	sdelay $0x1  }
0x8a: {  	s1 =	srdreg.scid  }
0x8b: {  	s0 =	sand.u32 $0x1, s1  }
0x8c: {  	s15 =	sshll.u32 s0, $0xA;
	s2 =	sadd.s32 s3, s2  }
0x8d: {  	s2 =	sadd.s32 s2, s15  }
0x8e: {  	[smem:$0x3FC5] =	sst s2  }
0x8f: {  	_ = 	snop  }
0x90: {  	s2 =	sld [smem:$0x3FD0];
	_ =	sdelay $0x2  }
0x91: {  	s4 =	simm.s32 $0xA;
	s5 =	simm.s32 $0x10;
	s16 =	sld [smem:$0x3FC8]  }
0x92: {  	[smem:s5], [sflag:s4] =	dma.local [hbm:s2], $0x1  }
0x93: {  	_ =	swait.eq [sflag:s4], $0x1  }
0x94: {  	[sflag:s4] =	ssyncset.done $0x0  }
0x95: {  	s17 =	sld [smem:$0x10];
	[sflag:s4] =	ssyncadd.s32 $0xFFFFFFFF  }
0x96: {  	s18 =	sld [smem:$0x11];
	(tm) =	ssettm $0x1  }
0x97: {  	s19 =	sld [smem:$0x3FFB];
	_ =	sdelay $0x3  }
0x98: {  	_ =	strace s19  }
0x99: {  	s5 =	sld [smem:$0x3FFC];
	_ =	sdelay $0x3  }
0x9a: {  	_ =	strace s5  }
0x9b: {  	s5 =	sld [smem:$0x3FFD];
	_ =	sdelay $0x3  }
0x9c: {  	_ =	strace s5  }
0x9d: {  	_ =	strace $0x8FFFFFFF  }
0x9e: {  	s20 =	sld [smem:$0x3FDB];
	_ =	sdelay $0x1  }
0x9f: {  	s6 =	simm.s32 $_scs_section_size  }
0xa0: {  	s7 =	simm.s32 $_size__tile_overlayer_lowered;
	s8 =	simm.s32 $_tile_overlayer_lowered  }
0xa1: {  	s23 =	simm.s32 $0x1BFF;
	s22 =	sshll.u32 s8, $0x1;
	s5 =	sadd.s32 s6, s20  }
0xa2: {  	s9 =	simm.s32 $0x0;
	s21 =	sshll.u32 s7, $0x1;
	s7 =	sadd.s32 s22, s5  }
0xa3: {  	[timem:s9], [sflag:s23] =	dma.local [hbm:s7], s21  }
0xa4: {  	_ =	swait.ge [sflag:s23], s21  }
0xa5: {  	s6 =	ssub.s32 $0x0, s21;
	[sflag:s23] =	ssyncset.done $0x0  }
0xa6: {  	[sflag:s23] =	ssyncadd.s32 s6;
	_ =	sdelay $0x1  }
0xa7: {  	s24 =	simm.s32 $0x1B8B  }
0xa8: {  	_ =	swait.ge [sflag:s24], $0x1  }
0xa9: {  	[sflag:s24] =	ssyncset.done $0x0  }
0xaa: {  	s25 =	simm.s32 $0x1B8E;
	[sflag:s24] =	ssyncadd.s32 $0xFFFFFFFF  }
0xab: {  	s26 =	simm.s32 $execute0_lowered;
	[smem:$0x3FD2] =	sst s25  }
0xac: {  	s6 =	sshll.u32 s26, $0x1;
	_ =	strace $0x80000046;
	[dreg:$0x1] =	wrdreg $0xFFFFFFFF  }
0xad: {  	s28 =	simm.s32 $_size_execute0_lowered;
	s5 =	sadd.s32 s5, s6;
	[dreg:$0x0] =	wrdreg $0x0  }
0xae: {  	s6 =	sshll.u32 s28, $0x1;
	[dreg:$0x2] =	wrdreg s5  }
0xaf: {  	[dreg:$0x3] =	wrdreg s6  }
0xb0: {  	[dreg:$0x4] =	wrdreg $0xC0  }
0xb1: {  	_ =	task [dreg:s9], $0x5FFFF  }
0xb2: {  	[dreg:$0x1] =	wrdreg $0xFFFFFFFF  }
0xb3: {  	[dreg:$0x0] =	wrdreg $0x60  }
0xb4: {  	[dreg:$0x2] =	wrdreg s18  }
0xb5: {  	[dreg:$0x3] =	wrdreg s16  }
0xb6: {  	[dreg:$0x4] =	wrdreg s17  }
0xb7: {  	[dreg:$0x5] =	wrdreg $0x9  }
0xb8: {  	_ =	task.clear_ibuf [dreg:s9], $0x6FFFF;
	_ =	strace $0x90000046  }
0xb9: {  	s29 =	simm.s32 $0x9;
	_ =	strace $0x80000048  }
0xba: {  	_ =	swait.ge [sflag:s29], $0x1  }
0xbb: {  	[sflag:s29] =	ssyncadd.s32 $0xFFFFFFFF  }
0xbc: {  	_ =	strace $0x90000048  }
0xbd: {  	_ =	sfence  }
0xbe: {  	s30 =	sld [smem:$0x0];
	_ =	sdelay $0x2  }
0xbf: {  	s31 =	sshll.u32 s1, $0xD;
	s1 =	sshrl.u32 s1, $0x2  }
0xc0: {  	s3 =	sand.u32 $0x4000, s31;
	s1 =	sadd.s32 s1, s30  }
0xc1: {  	s0 =	sor.u32 s3, s0;
	s1 =	sshll.u32 s1, $0x11  }
0xc2: {  	s0 =	sor.u32 s1, s0  }
0xc3: {  	s0 =	sadd.s32 $0x8F2B, s0  }
0xc4: {  	[sflag:s0] =	ssyncadd.remote.s32 $0x1  }
0xc5: {  	_ =	sfence.sel $0xFFFF  }
0xc6: {  	[dreg:$0x0] =	wrdreg $0xFFFFFFFF;
	(pc) =	sbr.abs _section_cstart, $3  }
0xc7: {  	[dreg:$0x1] =	wrdreg $0xFFFFFFFF  }
0xc8: {  	_ =	task.clear_ibuf [dreg:s9], $0x2FFFF;
	_ =	strace $0x9FFFFFFF  }
0xc9: {  	(tm) =	ssettm $0x7FFFFFFF  }
tec
execute0_lowered:
.L_overlay_start_1:
0x0: {  	(tag) =	ssettag $0x1  }
0x1: {  	s0 =	srdreg.scid  }
0x2: {  	s5 =	sand.u32 $0x1, s0;
	s0 =	stileid.u32  }
0x3: {  	s6 =	sshll.u32 s0, $0x1;
	s7 =	ssub.s32 $0x0, s5  }
0x4: {  	p0 =	sne.s32 s6, s7  }
.Ltmp0:
0x5: {  	_ = 	snop;
	(pc) =	sbr.rel @p0 .LBB2_13-.Ltmp0, $4  }
0x6: {  	s1 =	rddreg [dreg:$0x0]  }
0x7: {  	s3 =	rddreg [dreg:$0x1]  }
0x8: {  	s4 =	rddreg [dreg:$0x2]  }
0x9: {  	s2 =	rddreg [dreg:$0x3];
	_ =	strace $0x80000047  }
0xa: {  	v0 =	vimm.s32 $0xEFCDAB89;
	v1 =	vimm.s32 $0x67452301  }
0xb: {  	v2 =	vimm.s32 $0xDCFE98BA;
	v3 =	vimm.s32 $0x54761032;
	v4 =	vimm.s32 $0xBA98FEDC  }
0xc: {  	v5 =	vimm.s32 $0x32107654;
	v6 =	vimm.s32 $0xFEDCBA98;
	v7 =	vimm.s32 $0x76543210  }
0xd: {  	vm0 =	vmmov $0x1;
	vm1 =	vcmask $0x314;
	v0 =	vunpack.c.l.s4.s8 v0  }
0xe: {  	v1 =	vunpack.c.l.s4.s8 v1;
	v2 =	vunpack.c.l.s4.s8 v2;
	v3 =	vunpack.c.l.s4.s8 v3  }
0xf: {  	v4 =	vunpack.c.l.s4.s8 v4;
	v5 =	vunpack.c.l.s4.s8 v5;
	v6 =	vunpack.c.l.s4.s8 v6  }
0x10: {  	v0 =	vunpack.c.0.s8.s32 v0;
	v1 =	vunpack.c.0.s8.s32 v1;
	v2 =	vunpack.c.0.s8.s32 v2  }
0x11: {  	v3 =	vunpack.c.0.s8.s32 v3;
	v4 =	vunpack.c.0.s8.s32 v4;
	v5 =	vunpack.c.0.s8.s32 v5  }
0x12: {  	vm2 =	vcmask $0x714;
	v7 =	vunpack.c.l.s4.s8 v7;
	v1 =	vcombine.low v1, v0  }
0x13: {  	s5 =	ssub.s32 $0x2, s5;
	v2 =	vcombine.low v3, v2;
	v3 =	vcombine.low v5, v4;
	v4 =	vunpack.c.0.s8.s32 v6  }
0x14: {  	s7 =	simm.s32 $0x2;
	vm3 =	vcmask $0xB14;
	vm4 =	vcmask $0xF14;
	s6 =	sshrl.u32 s5, $0x1;
	v5 =	vunpack.c.0.s8.s32 v7  }
0x15: {  	s8 =	simm.s32 $0x480;
	s9 =	simm.s32 $0x1;
	s5 =	ssub.s32 s5, s6;
	v0 =	vlaneseq.u32;
	v1 =	vand.u32 $0xF, v1;
	v4 =	vand.u32 $0xF, v4  }
0x16: {  	s10 =	simm.s32 $0x0;
	s6 =	simm.s32 $0x0;
	s5 =	smax.u32 s5, $0x1;
	v2 =	vand.u32 $0xF, v2;
	v3 =	vand.u32 $0xF, v3;
	v4 =	vcombine.low v4, v5  }
.LBB2_2:
0x17: {  	[tilespmem:s6], [sflag:$0x2] =	stream.linear.gather [hbm4b:s1+s6], $0x400, $0x38;
	[tilespmem:$0xC480] =	vst v63  }
0x18: {  	_ =	swait.ge [sflag:s7], $0x400  }
0x19: {  	[sflag:s7] =	ssyncset.done $0x0  }
0x1a: {  	[sflag:s7] =	ssyncadd.s32 $0xFFFFFC00  }
0x1b: {  	v6 =	vld [tilespmem:s6+$0x0];
	_ =	sdelay $0x3  }
0x1c: {  	v7 =	vimm.f32 $-3.000000010e+38  }
0x1d: {  	v5 =	vimm.s32 $0x0;
	s11 =	simm.s32 $0x10;
	v8 =	vor.u32 s6, v0;
	s12 =	simm.s32 $0x10;
	vm5 =	vgt.f32 v6, v7  }
.LBB2_3:
0x1e: {  	p0 =	sne.s32 s11, $0x3F0;
	v7 =	vsel vm5, v6, v7;
	v6 =	vld [tilespmem:s12+$0x0];
	v5 =	vsel vm5, v8, v5;
	s13 =	smov.u32 s11;
	s11 =	sadd.s32 $0x10, s11  }
.Ltmp1:
0x1f: {  	(pc) =	sbr.rel @p0 .LBB2_3-.Ltmp1, $2  }
0x20: {  	_ =	sdelay $0x2  }
0x21: {  	s12 =	sadd.s32 $0x10, s12;
	v8 =	vor.u32 s13, v0;
	vm5 =	vgt.f32 v6, v7  }
0x22: {  	v6 =	vsel vm5, v6, v7  }
0x23: {  	v7 =	vperm.xlane v6, v1;
	_ =	sdelay $0x1  }
0x24: {  	v7 =	vmax.f32 v6, v7  }
0x25: {  	v9 =	vperm.xlane v7, v2;
	_ =	sdelay $0x1  }
0x26: {  	v7 =	vmax.f32 v7, v9  }
0x27: {  	v9 =	vperm.xlane v7, v3;
	_ =	sdelay $0x1  }
0x28: {  	v7 =	vmax.f32 v7, v9  }
0x29: {  	v9 =	vperm.xlane v7, v4;
	_ =	sdelay $0x1  }
0x2a: {  	v7 =	vmax.f32 v7, v9  }
0x2b: {  	v5 =	vsel vm5, v8, v5;
	vm5 =	veq.f32 v6, v7  }
0x2c: {  	v5 =	vnsel vm5, $0x40000000, v5  }
0x2d: {  	v6 =	vperm.xlane v5, v1;
	_ =	sdelay $0x1  }
0x2e: {  	vm5 =	vlt.s32 v5, v6  }
0x2f: {  	v5 =	vsel vm5, v5, v6  }
0x30: {  	v6 =	vperm.xlane v5, v2;
	_ =	sdelay $0x1  }
0x31: {  	vm5 =	vlt.s32 v5, v6  }
0x32: {  	v5 =	vsel vm5, v5, v6  }
0x33: {  	v6 =	vperm.xlane v5, v3;
	_ =	sdelay $0x1  }
0x34: {  	s11 =	simm.s32 $0x0;
	vm5 =	vlt.s32 v5, v6  }
0x35: {  	v9 =	vld [tilespmem:s11+$0x0];
	v5 =	vsel vm5, v5, v6  }
0x36: {  	v6 =	vperm.xlane v5, v4;
	_ =	sdelay $0x1  }
0x37: {  	vm5 =	vlt.s32 v5, v6  }
0x38: {  	v8 =	vimm.f32 $-3.000000010e+38;
	v7 =	vor.u32 s11, v0;
	v5 =	vsel vm5, v5, v6  }
0x39: {  	s12 =	simm.s32 $0x10;
	s11 =	simm.s32 $0x10;
	v6 =	vimm.s32 $0x0;
	vm5 =	vgt.f32 v9, v8;
	vm6 =	vne.s32 v7, v5  }
.LBB2_5:
0x3a: {  	v10 =	vld [tilespmem:s12+$0x0];
	p0 =	sne.s32 s11, $0x3F0;
	vm5 =	vmand vm6, vm5;
	s13 =	smov.u32 s11;
	s11 =	sadd.s32 $0x10, s11  }
.Ltmp2:
0x3b: {  	v8 =	vsel vm5, v9, v8;
	v6 =	vsel vm5, v7, v6;
	(pc) =	sbr.rel @p0 .LBB2_5-.Ltmp2, $3  }
0x3c: {  	_ =	sdelay $0x1  }
0x3d: {  	v7 =	vor.u32 s13, v0  }
0x3e: {  	s12 =	sadd.s32 $0x10, s12;
	vm6 =	vne.s32 v7, v5;
	vm5 =	vgt.f32 v10, v8;
	v9 =	vmov v10  }
0x3f: {  	vm5 =	vmand vm6, vm5  }
0x40: {  	v8 =	vsel vm5, v9, v8  }
0x41: {  	v9 =	vperm.xlane v8, v1;
	_ =	sdelay $0x1  }
0x42: {  	v9 =	vmax.f32 v8, v9  }
0x43: {  	v10 =	vperm.xlane v9, v2;
	_ =	sdelay $0x1  }
0x44: {  	v9 =	vmax.f32 v9, v10  }
0x45: {  	v10 =	vperm.xlane v9, v3;
	_ =	sdelay $0x1  }
0x46: {  	v9 =	vmax.f32 v9, v10  }
0x47: {  	v10 =	vperm.xlane v9, v4;
	_ =	sdelay $0x1  }
0x48: {  	v9 =	vmax.f32 v9, v10  }
0x49: {  	v6 =	vsel vm5, v7, v6;
	vm5 =	veq.f32 v8, v9  }
0x4a: {  	v6 =	vnsel vm5, $0x40000000, v6  }
0x4b: {  	v7 =	vperm.xlane v6, v1;
	_ =	sdelay $0x1  }
0x4c: {  	vm5 =	vlt.s32 v6, v7  }
0x4d: {  	v6 =	vsel vm5, v6, v7  }
0x4e: {  	v7 =	vperm.xlane v6, v2;
	_ =	sdelay $0x1  }
0x4f: {  	vm5 =	vlt.s32 v6, v7  }
0x50: {  	v6 =	vsel vm5, v6, v7  }
0x51: {  	v7 =	vperm.xlane v6, v3;
	_ =	sdelay $0x1  }
0x52: {  	vm5 =	vlt.s32 v6, v7  }
0x53: {  	s11 =	simm.s32 $0x0;
	v6 =	vsel vm5, v6, v7  }
0x54: {  	v10 =	vld [tilespmem:s11+$0x0];
	v7 =	vperm.xlane v6, v4;
	_ =	sdelay $0x1  }
0x55: {  	vm5 =	vlt.s32 v6, v7  }
0x56: {  	v6 =	vsel vm5, v6, v7;
	v7 =	vor.u32 s11, v0  }
0x57: {  	v9 =	vimm.f32 $-3.000000010e+38;
	vm6 =	vne.s32 v7, v5;
	vm7 =	vne.s32 v7, v6  }
0x58: {  	s12 =	simm.s32 $0x10;
	v8 =	vimm.s32 $0x0;
	s11 =	simm.s32 $0x10;
	vm5 =	vgt.f32 v10, v9;
	vm6 =	vmand vm6, vm7  }
.LBB2_7:
0x59: {  	v11 =	vld [tilespmem:s12+$0x0];
	p0 =	sne.s32 s11, $0x3F0;
	vm5 =	vmand vm6, vm5;
	s13 =	smov.u32 s11;
	s11 =	sadd.s32 $0x10, s11  }
.Ltmp3:
0x5a: {  	v9 =	vsel vm5, v10, v9;
	v8 =	vsel vm5, v7, v8;
	(pc) =	sbr.rel @p0 .LBB2_7-.Ltmp3, $4  }
0x5b: {  	_ = 	snop  }
0x5c: {  	v7 =	vor.u32 s13, v0  }
0x5d: {  	vm6 =	vne.s32 v7, v5;
	vm7 =	vne.s32 v7, v6  }
0x5e: {  	s12 =	sadd.s32 $0x10, s12;
	vm6 =	vmand vm6, vm7;
	vm5 =	vgt.f32 v11, v9;
	v10 =	vmov v11  }
0x5f: {  	vm5 =	vmand vm6, vm5  }
0x60: {  	v9 =	vsel vm5, v10, v9  }
0x61: {  	v10 =	vperm.xlane v9, v1;
	_ =	sdelay $0x1  }
0x62: {  	v10 =	vmax.f32 v9, v10  }
0x63: {  	v11 =	vperm.xlane v10, v2;
	_ =	sdelay $0x1  }
0x64: {  	v10 =	vmax.f32 v10, v11  }
0x65: {  	v11 =	vperm.xlane v10, v3;
	_ =	sdelay $0x1  }
0x66: {  	v10 =	vmax.f32 v10, v11  }
0x67: {  	v11 =	vperm.xlane v10, v4;
	_ =	sdelay $0x1  }
0x68: {  	v10 =	vmax.f32 v10, v11  }
0x69: {  	v7 =	vsel vm5, v7, v8;
	vm5 =	veq.f32 v9, v10  }
0x6a: {  	v7 =	vnsel vm5, $0x40000000, v7  }
0x6b: {  	v8 =	vperm.xlane v7, v1;
	_ =	sdelay $0x1  }
0x6c: {  	vm5 =	vlt.s32 v7, v8  }
0x6d: {  	v7 =	vsel vm5, v7, v8  }
0x6e: {  	v8 =	vperm.xlane v7, v2;
	_ =	sdelay $0x1  }
0x6f: {  	vm5 =	vlt.s32 v7, v8  }
0x70: {  	v7 =	vsel vm5, v7, v8  }
0x71: {  	v8 =	vperm.xlane v7, v3;
	_ =	sdelay $0x1  }
0x72: {  	vm5 =	vlt.s32 v7, v8  }
0x73: {  	s11 =	simm.s32 $0x0;
	v7 =	vsel vm5, v7, v8  }
0x74: {  	v11 =	vld [tilespmem:s11+$0x0];
	v8 =	vperm.xlane v7, v4;
	_ =	sdelay $0x1  }
0x75: {  	vm5 =	vlt.s32 v7, v8  }
0x76: {  	v7 =	vsel vm5, v7, v8;
	v8 =	vor.u32 s11, v0  }
0x77: {  	v10 =	vimm.f32 $-3.000000010e+38;
	vm6 =	vne.s32 v8, v5;
	vm7 =	vne.s32 v8, v6  }
0x78: {  	s12 =	simm.s32 $0x10;
	v9 =	vimm.s32 $0x0;
	s11 =	simm.s32 $0x10;
	vm5 =	vgt.f32 v11, v10;
	vm6 =	vmand vm6, vm7  }
.LBB2_9:
0x79: {  	v12 =	vld [tilespmem:s12+$0x0];
	p0 =	sne.s32 s11, $0x3F0;
	vm5 =	vmand vm6, vm5;
	vm6 =	vne.s32 v8, v7;
	s13 =	smov.u32 s11;
	s11 =	sadd.s32 $0x10, s11  }
.Ltmp4:
0x7a: {  	vm5 =	vmand vm6, vm5;
	(pc) =	sbr.rel @p0 .LBB2_9-.Ltmp4, $4  }
0x7b: {  	v10 =	vsel vm5, v11, v10;
	v9 =	vsel vm5, v8, v9  }
0x7c: {  	v8 =	vor.u32 s13, v0  }
0x7d: {  	vm6 =	vne.s32 v8, v5;
	vm7 =	vne.s32 v8, v6  }
0x7e: {  	s12 =	sadd.s32 $0x10, s12;
	vm6 =	vmand vm6, vm7;
	vm5 =	vgt.f32 v12, v10;
	v11 =	vmov v12  }
0x7f: {  	vm5 =	vmand vm6, vm5;
	vm6 =	vne.s32 v8, v7  }
0x80: {  	vm5 =	vmand vm6, vm5  }
0x81: {  	v10 =	vsel vm5, v11, v10  }
0x82: {  	v11 =	vperm.xlane v10, v1;
	_ =	sdelay $0x1  }
0x83: {  	v11 =	vmax.f32 v10, v11  }
0x84: {  	v12 =	vperm.xlane v11, v2;
	_ =	sdelay $0x1  }
0x85: {  	v11 =	vmax.f32 v11, v12  }
0x86: {  	v12 =	vperm.xlane v11, v3;
	_ =	sdelay $0x1  }
0x87: {  	v11 =	vmax.f32 v11, v12  }
0x88: {  	v12 =	vperm.xlane v11, v4;
	_ =	sdelay $0x1  }
0x89: {  	v11 =	vmax.f32 v11, v12  }
0x8a: {  	v8 =	vsel vm5, v8, v9;
	vm5 =	veq.f32 v10, v11  }
0x8b: {  	v8 =	vnsel vm5, $0x40000000, v8  }
0x8c: {  	v9 =	vperm.xlane v8, v1;
	_ =	sdelay $0x1  }
0x8d: {  	vm5 =	vlt.s32 v8, v9  }
0x8e: {  	v8 =	vsel vm5, v8, v9  }
0x8f: {  	v9 =	vperm.xlane v8, v2;
	_ =	sdelay $0x1  }
0x90: {  	vm5 =	vlt.s32 v8, v9  }
0x91: {  	v8 =	vsel vm5, v8, v9  }
0x92: {  	v9 =	vperm.xlane v8, v3;
	_ =	sdelay $0x1  }
0x93: {  	vm5 =	vlt.s32 v8, v9  }
0x94: {  	s11 =	simm.s32 $0x0;
	v8 =	vsel vm5, v8, v9  }
0x95: {  	v12 =	vld [tilespmem:s11+$0x0];
	v9 =	vperm.xlane v8, v4;
	_ =	sdelay $0x1  }
0x96: {  	vm5 =	vlt.s32 v8, v9  }
0x97: {  	v8 =	vsel vm5, v8, v9;
	v9 =	vor.u32 s11, v0  }
0x98: {  	v11 =	vimm.f32 $-3.000000010e+38;
	vm6 =	vne.s32 v9, v5;
	vm7 =	vne.s32 v9, v6  }
0x99: {  	s12 =	simm.s32 $0x10;
	v10 =	vimm.s32 $0x0;
	s11 =	simm.s32 $0x10;
	vm5 =	vgt.f32 v12, v11;
	vm6 =	vmand vm6, vm7  }
.LBB2_11:
0x9a: {  	v13 =	vld [tilespmem:s12+$0x0];
	p0 =	sne.s32 s11, $0x3F0;
	vm5 =	vmand vm6, vm5;
	vm6 =	vne.s32 v9, v7;
	s13 =	smov.u32 s11;
	s11 =	sadd.s32 $0x10, s11  }
.Ltmp5:
0x9b: {  	vm5 =	vmand vm6, vm5;
	vm6 =	vne.s32 v9, v8;
	(pc) =	sbr.rel @p0 .LBB2_11-.Ltmp5, $4  }
0x9c: {  	vm5 =	vmand vm6, vm5  }
0x9d: {  	v11 =	vsel vm5, v12, v11;
	v10 =	vsel vm5, v9, v10;
	v9 =	vor.u32 s13, v0  }
0x9e: {  	vm6 =	vne.s32 v9, v5;
	vm7 =	vne.s32 v9, v6  }
0x9f: {  	s12 =	sadd.s32 $0x10, s12;
	vm5 =	vgt.f32 v13, v11;
	vm6 =	vmand vm6, vm7;
	v12 =	vmov v13  }
0xa0: {  	vm5 =	vmand vm6, vm5;
	vm6 =	vne.s32 v9, v7  }
0xa1: {  	vm5 =	vmand vm6, vm5;
	vm6 =	vne.s32 v9, v8  }
0xa2: {  	vm5 =	vmand vm6, vm5  }
0xa3: {  	v11 =	vsel vm5, v12, v11  }
0xa4: {  	v12 =	vperm.xlane v11, v1;
	_ =	sdelay $0x1  }
0xa5: {  	v12 =	vmax.f32 v11, v12  }
0xa6: {  	v13 =	vperm.xlane v12, v2;
	_ =	sdelay $0x1  }
0xa7: {  	v12 =	vmax.f32 v12, v13  }
0xa8: {  	v13 =	vperm.xlane v12, v3;
	_ =	sdelay $0x1  }
0xa9: {  	v12 =	vmax.f32 v12, v13  }
0xaa: {  	v13 =	vperm.xlane v12, v4;
	_ =	sdelay $0x1  }
0xab: {  	v12 =	vmax.f32 v12, v13  }
0xac: {  	v62 =	vsel vm5, v9, v10;
	vm5 =	veq.f32 v11, v12  }
0xad: {  	v9 =	vnsel vm5, $0x40000000, v62  }
0xae: {  	v63 =	vperm.xlane v9, v1;
	_ =	sdelay $0x1  }
0xaf: {  	vm5 =	vlt.s32 v9, v63  }
0xb0: {  	v9 =	vsel vm5, v9, v63  }
0xb1: {  	v10 =	vperm.xlane v9, v2;
	_ =	sdelay $0x1  }
0xb2: {  	vm5 =	vlt.s32 v9, v10  }
0xb3: {  	v9 =	vsel vm5, v9, v10  }
0xb4: {  	v10 =	vperm.xlane v9, v3;
	_ =	sdelay $0x1  }
0xb5: {  	vm5 =	vlt.s32 v9, v10  }
0xb6: {  	v9 =	vsel vm5, v9, v10  }
0xb7: {  	v5 =	vnsel vm0, $0x0, v5;
	v10 =	vperm.xlane v9, v4  }
0xb8: {  	v5 =	vsel vm1, v5, v6  }
0xb9: {  	v5 =	vsel vm2, v5, v7;
	vm5 =	vlt.s32 v9, v10  }
0xba: {  	v5 =	vsel vm3, v5, v8;
	v6 =	vsel vm5, v9, v10  }
0xbb: {  	v5 =	vsel vm4, v5, v6  }
0xbc: {  	[tilespmem:$0x400] =	vst v5  }
0xbd: {  	v5 =	vld.msk [tilespmem:$0x400], $0xff;
	_ =	sdelay $0x4  }
0xbe: {  	v5 =	vmul.u32 $0x1800, v5;
	_ =	sdelay $0x1  }
0xbf: {  	v5 =	vperm.xlane v5, v0;
	_ =	sdelay $0x4  }
0xc0: {  	vm5 =	vmmov $0xff  }
0xc1: {  	[tilespmem:s8], [sflag:$0x1] =	stream.indirect_vreg.gather [hbm4b:s3+s6], $0x1800, v5, vm5, $0x38;
	[tilespmem:$0xC480] =	vst v63  }
0xc2: {  	s10 =	sadd.s32 $0x1, s10;
	_ =	swait.ge [sflag:s9], $0xC000  }
0xc3: {  	p0 =	sne.s32 s10, s5;
	[sflag:s9] =	ssyncset.done $0x0  }
.Ltmp6:
0xc4: {  	[sflag:s9] =	ssyncadd.s32 $0xFFFF4000;
	(pc) =	sbr.rel @p0 .LBB2_2-.Ltmp6, $4  }
0xc5: {  	[hbm4b:s4+s6] =	stream.linear.scatter [tilespmem:s8], [sflag:$0x2], $0x7800, $0x38;
	[tilespmem:$0xC480] =	vst v63  }
0xc6: {  	_ =	swait.ge [sflag:s7], $0x7800  }
0xc7: {  	[sflag:s7] =	ssyncset.done $0x0  }
0xc8: {  	[sflag:s7] =	ssyncadd.s32 $0xFFFF8800  }
.LBB2_13:
0xc9: {  	_ =	sfence.sel $0x180000  }
0xca: {  	[bflag:$0x0] =	sbarrier.arrive $0xFFFF  }
0xcb: {  	p0 =	sne.s32 s0, $0x0;
	_ =	strace $0x90000047  }
0xcc: {  	s0 =	sadd.s32 @!p0 $0x100000, s2;
	[bflag:$0x2] =	sbarrier.arrive $0xFFFF  }
0xcd: {  	[sflag:s0] =	ssyncadd.tile.s32 @!p0 $0x1;
	_ =	shalt  }
.Lfunc_end2:
_tile_overlayer_lowered:
.L_overlay_start_2:
0xce: {  	(tag) =	ssettag $0x2  }
0xcf: {  	s0 =	rddreg [dreg:$0x0];
	s2 =	stileid.u32  }
0xd0: {  	s1 =	rddreg [dreg:$0x1];
	p0 =	sne.s32 s2, $0x0  }
0xd1: {  	s3 =	rddreg [dreg:$0x2];
	[bflag:$0x3] =	sbarrier.arrive $0xFFFF;
	s2 =	simm.s32 @!p0 $0x1C02  }
0xd2: {  	[timem:s3], [sflag:s2] =	dma.local @!p0 [hbm:s0], s1  }
0xd3: {  	s0 =	simm.s32 @!p0 $0x2  }
0xd4: {  	_ =	swait.ge @!p0 [sflag:s0], s1  }
0xd5: {  	s1 =	ssub.s32 @!p0 $0x0, s1;
	[sflag:s0] =	ssyncset.done @!p0 $0x0  }
0xd6: {  	[sflag:s0] =	ssyncadd.s32 @!p0 s1  }
0xd7: {  	[bflag:$0x3] =	sbarrier.arrive $0xFFFF  }
0xd8: {  	_ =	shalt  }

</sc_bundles>
